<compile_context>
chip_gen: v7x
topology: tpu7x:2x2x1
jax: 0.10.2.dev20260603
libtpu: 0.0.44.dev20260713+nightly
codegen_flags: <defaults>
</compile_context>

<pallas_src>
import functools

import jax
import jax.numpy as jnp
from jax import lax
from jax.experimental import pallas as pl
from jax.experimental.pallas import tpu as pltpu
from jax.experimental.pallas import tpu_sc as plsc

B = 16384
EMB = 64
HID = 192
CAT = EMB * 4
EPS = 1e-5
N_TAG = 1000
N_CLASS = 1000

NC = 2
NS = 16
NW = NC * NS
BPW = B // NW
CG = 128
NCH = BPW // CG
L = 16

BLK = 1024
NBLK = B // BLK

BR = 2048
NB = B // BR


def _sc_gather_build():
    mesh = plsc.VectorSubcoreMesh(core_axis_name="c", subcore_axis_name="s")
    part = jax.ShapeDtypeStruct((B, EMB), jnp.float32)

    @functools.partial(
        pl.kernel,
        mesh=mesh,
        compiler_params=pltpu.CompilerParams(use_tc_tiling_on_sc=False),
        out_type=[part, part],
        scratch_types=[
            pltpu.VMEM((BPW,), jnp.int32),
            pltpu.VMEM((CG, EMB), jnp.float32),
            pltpu.VMEM((CG, EMB), jnp.float32),
            pltpu.SemaphoreType.DMA,
            pltpu.SemaphoreType.DMA,
        ],
    )
    def body(t0, t1, i0, i1, o0, o1, idx_v, rows_a, rows_b, sem_a, sem_b):
        wid = lax.axis_index("s") * NC + lax.axis_index("c")
        base = wid * BPW
        bufs = (rows_a, rows_b)
        sems = (sem_a, sem_b)
        for tab, idx, out in ((t0, i0, o0), (t1, i1, o1)):
            pltpu.sync_copy(idx.at[pl.ds(base, BPW)], idx_v)
            pend = [None, None]
            pend[0] = pltpu.async_copy(
                tab.at[idx_v.at[pl.ds(0, CG)]], bufs[0], sems[0])
            for c in range(NCH):
                b = c % 2
                pend[b].wait()
                if c + 1 < NCH:
                    nb = (c + 1) % 2
                    pend[nb] = pltpu.async_copy(
                        tab.at[idx_v.at[pl.ds((c + 1) * CG, CG)]],
                        bufs[nb], sems[nb])
                pltpu.sync_copy(bufs[b], out.at[pl.ds(base + c * CG, CG), :])

    return body


_sc_gather = _sc_gather_build()


def _onehot_body(it_ref, iq_ref, tt_ref, tq_ref, ot_ref, oq_ref):
    rows = lax.broadcasted_iota(jnp.int32, (BLK, N_TAG), 1)
    oh = (it_ref[...][:, None] == rows).astype(jnp.float32)
    ot_ref[...] = jnp.dot(oh, tt_ref[...], preferred_element_type=jnp.float32)
    oh = (iq_ref[...][:, None] == rows).astype(jnp.float32)
    oq_ref[...] = jnp.dot(oh, tq_ref[...], preferred_element_type=jnp.float32)


def _tc_stats_body(x0_ref, x1_ref, x2_ref, x3_ref, s_ref):
    @pl.when(pl.program_id(0) == 0)
    def _():
        s_ref[...] = jnp.zeros_like(s_ref)

    for t, x_ref in enumerate((x0_ref, x1_ref, x2_ref, x3_ref)):
        x = x_ref[...]
        part = jnp.stack([jnp.sum(x, axis=0), jnp.sum(x * x, axis=0)])
        s_ref[:, t * EMB:(t + 1) * EMB] += part


def _tc_apply_body(s_ref, x0_ref, x1_ref, x2_ref, x3_ref, gamma_ref,
                   beta_ref, g_ref, v_ref, bias_ref, o_ref):
    mean = s_ref[0] * (1.0 / B)
    var = s_ref[1] * (1.0 / B) - mean * mean
    scale = gamma_ref[0] * lax.rsqrt(var + EPS)
    shift = beta_ref[0] - mean * scale
    v = v_ref[...]
    w = v * (g_ref[...] * lax.rsqrt(jnp.sum(v * v, axis=1)))[:, None]
    bias_eff = bias_ref[...] + jnp.sum(w * shift[None, :], axis=1)
    acc = jnp.zeros((BR, HID), jnp.float32)
    for t, x_ref in enumerate((x0_ref, x1_ref, x2_ref, x3_ref)):
        ws = w[:, t * EMB:(t + 1) * EMB] * scale[None, t * EMB:(t + 1) * EMB]
        acc = acc + lax.dot_general(
            x_ref[...], ws, (((1,), (1,)), ((), ())),
            preferred_element_type=jnp.float32,
        )
    o_ref[...] = jax.nn.sigmoid(acc + bias_eff[None, :])


def kernel(last_test, last_question, last_tag, last_qclass,
           emb_test, emb_question, emb_tag, emb_qclass,
           bn_gamma, bn_beta, wn_g, wn_v, bias):
    i_test = last_test.astype(jnp.int32)
    i_question = last_question.astype(jnp.int32)
    i_tag = last_tag.astype(jnp.int32)
    i_qclass = last_qclass.astype(jnp.int32)

    x_test, x_question = _sc_gather(
        emb_test, emb_question, i_test, i_question,
    )

    x_tag, x_qclass = pl.pallas_call(
        _onehot_body,
        grid=(NBLK,),
        in_specs=[
            pl.BlockSpec((BLK,), lambda i: (i,)),
            pl.BlockSpec((BLK,), lambda i: (i,)),
            pl.BlockSpec((N_TAG, EMB), lambda i: (0, 0)),
            pl.BlockSpec((N_CLASS, EMB), lambda i: (0, 0)),
        ],
        out_specs=[
            pl.BlockSpec((BLK, EMB), lambda i: (i, 0)),
            pl.BlockSpec((BLK, EMB), lambda i: (i, 0)),
        ],
        out_shape=[
            jax.ShapeDtypeStruct((B, EMB), jnp.float32),
            jax.ShapeDtypeStruct((B, EMB), jnp.float32),
        ],
    )(i_tag, i_qclass, emb_tag, emb_qclass)

    xs = (x_test, x_question, x_tag, x_qclass)

    xblk = pl.BlockSpec((BR, EMB), lambda i: (i, 0))
    stats = pl.pallas_call(
        _tc_stats_body,
        grid=(NB,),
        in_specs=[xblk] * 4,
        out_specs=pl.BlockSpec((2, CAT), lambda i: (0, 0)),
        out_shape=jax.ShapeDtypeStruct((2, CAT), jnp.float32),
    )(*xs)

    full = lambda *s: pl.BlockSpec(s, lambda i: (0,) * len(s))
    return pl.pallas_call(
        _tc_apply_body,
        grid=(NB,),
        in_specs=[full(2, CAT), xblk, xblk, xblk, xblk,
                  full(1, CAT), full(1, CAT), full(HID),
                  full(HID, CAT), full(HID)],
        out_specs=pl.BlockSpec((BR, HID), lambda i: (i, 0)),
        out_shape=jax.ShapeDtypeStruct((B, HID), jnp.float32),
    )(stats, *xs, bn_gamma.reshape(1, CAT), bn_beta.reshape(1, CAT),
      wn_g, wn_v, bias)

# --- scband reference (transcript-rebuilt; emitter-appended) ---
"""Pipeline reference for scband-mask-model-16776142258835 (READ-ONLY COPY).

The authoritative reference and input builder live on the scoring server;
editing this copy changes nothing except your own understanding.
"""

import jax, jax.numpy as jnp
import numpy as np

B = 16384
EMB = 64          # hidden_dim // 3
HID = 192         # hidden_dim
CAT = EMB * 4     # concat of 4 embeddings
N_TEST = 100000
N_QUESTIONS = 1000000
N_TAG = 1000
N_CLASS = 1000
EPS = 1e-5


def setup_inputs(seed: int = 0) -> dict:
    key = jax.random.key(seed)
    ks = jax.random.split(key, 12)
    last_test = jax.random.randint(ks[0], (B,), 0, N_TEST, dtype=jnp.int64 if jax.config.jax_enable_x64 else jnp.int32)
    last_question = jax.random.randint(ks[1], (B,), 0, N_QUESTIONS, dtype=last_test.dtype)
    last_tag = jax.random.randint(ks[2], (B,), 0, N_TAG, dtype=last_test.dtype)
    last_qclass = jax.random.randint(ks[3], (B,), 0, N_CLASS, dtype=last_test.dtype)
    emb_test = jax.random.normal(ks[4], (N_TEST, EMB), dtype=jnp.float32) * 0.02
    emb_question = jax.random.normal(ks[5], (N_QUESTIONS, EMB), dtype=jnp.float32) * 0.02
    emb_tag = jax.random.normal(ks[6], (N_TAG, EMB), dtype=jnp.float32) * 0.02
    emb_qclass = jax.random.normal(ks[7], (N_CLASS, EMB), dtype=jnp.float32) * 0.02
    bn_gamma = jnp.ones((CAT,), dtype=jnp.float32)
    bn_beta = jnp.zeros((CAT,), dtype=jnp.float32)
    wn_v = jax.random.normal(ks[8], (HID, CAT), dtype=jnp.float32) * 0.05
    wn_g = jnp.sqrt(jnp.sum(wn_v ** 2, axis=1))  # weight_norm init: g = ||v|| per output row
    bias = jnp.zeros((HID,), dtype=jnp.float32)
    return {
        'last_test': last_test, 'last_question': last_question,
        'last_tag': last_tag, 'last_qclass': last_qclass,
        'emb_test': emb_test, 'emb_question': emb_question,
        'emb_tag': emb_tag, 'emb_qclass': emb_qclass,
        'bn_gamma': bn_gamma, 'bn_beta': bn_beta,
        'wn_g': wn_g, 'wn_v': wn_v, 'bias': bias,
    }


def reference(last_test, last_question, last_tag, last_qclass,
              emb_test, emb_question, emb_tag, emb_qclass,
              bn_gamma, bn_beta, wn_g, wn_v, bias):
    # Embedding lookups (gather)
    e_test = jnp.take(emb_test, last_test, axis=0)
    e_question = jnp.take(emb_question, last_question, axis=0)
    e_tag = jnp.take(emb_tag, last_tag, axis=0)
    e_qclass = jnp.take(emb_qclass, last_qclass, axis=0)
    x = jnp.concatenate([e_test, e_question, e_tag, e_qclass], axis=1)
    # BatchNorm1d in training mode: biased batch statistics
    mean = jnp.mean(x, axis=0)
    var = jnp.mean((x - mean) ** 2, axis=0)
    xn = (x - mean) / jnp.sqrt(var + EPS) * bn_gamma + bn_beta
    # weight_norm linear (dim=0): W[i,:] = g[i] * v[i,:] / ||v[i,:]||
    v_norm = jnp.sqrt(jnp.sum(wn_v ** 2, axis=1, keepdims=True))
    W = (wn_g[:, None] * wn_v) / v_norm
    out = xn @ W.T + bias
    return jax.nn.sigmoid(out)

if __name__ == "__main__":
    import jax
    _d = setup_inputs()
    print(jax.jit(kernel)(*tuple(_d.values())))

</pallas_src>

<mosaic_0001>
#map = affine_map<(d0, d1) -> (0, 0)>
#map1 = affine_map<(d0, d1) -> (0)>
module attributes {stable_mosaic.version = 14 : i64} {
  func.func @body(%arg0: i32, %arg1: i32, %arg2: memref<100000x64xf32, #tpu.memory_space<hbm>>, %arg3: memref<1000000x64xf32, #tpu.memory_space<hbm>>, %arg4: memref<16384xi32, #tpu.memory_space<hbm>>, %arg5: memref<16384xi32, #tpu.memory_space<hbm>>, %arg6: memref<16384x64xf32, #tpu.memory_space<hbm>>, %arg7: memref<16384x64xf32, #tpu.memory_space<hbm>>, %arg8: memref<512xi32, #tpu.memory_space<vmem>>, %arg9: memref<128x64xf32, #tpu.memory_space<vmem>>, %arg10: memref<128x64xf32, #tpu.memory_space<vmem>>, %arg11: memref<!tpu.dma_semaphore, #tpu.memory_space<semaphore_mem>>, %arg12: memref<!tpu.dma_semaphore, #tpu.memory_space<semaphore_mem>>) attributes {dimension_semantics = [#tpu.dimension_semantics<core_parallel>, #tpu.dimension_semantics<subcore_parallel>], iteration_bounds = array<i64: 2, 16>, scalar_prefetch = 0 : i64, scratch_operands = 5 : i64, tpu.core_type = #tpu.core_type<sc_vector_subcore>, window_params = [{transform_indices = #map}, {transform_indices = #map}, {transform_indices = #map1}, {transform_indices = #map1}, {transform_indices = #map}, {transform_indices = #map}]} {
    %mul3A = arith.constant 2 : i32
    %mul3A_0 = arith.muli %arg1, %mul3A : i32
    %add3A = arith.addi %mul3A_0, %arg0 : i32
    %mul3A_1 = arith.constant 512 : i32
    %mul3A_2 = arith.muli %add3A, %mul3A_1 : i32
    "tpu.region"() ({
      %run_scoped3A = tpu.sem_alloc : memref<!tpu.dma_semaphore, #tpu.memory_space<semaphore_mem>>
      %dma_start3A_97 = tpu.memref_slice %arg4[%mul3A_2] : memref<16384xi32, #tpu.memory_space<hbm>> -> memref<512xi32, #tpu.memory_space<hbm>>
      %dma_start3A_98 = tpu.memref_slice %arg4[%mul3A_2] : memref<16384xi32, #tpu.memory_space<hbm>> -> memref<512xi32, #tpu.memory_space<hbm>>
      tpu.enqueue_dma source(%dma_start3A_98 : memref<512xi32, #tpu.memory_space<hbm>>) target(%arg8 : memref<512xi32, #tpu.memory_space<vmem>>) target_semaphore(%run_scoped3A : memref<!tpu.dma_semaphore, #tpu.memory_space<semaphore_mem>>)
      %dma_wait3A_99 = tpu.memref_slice %arg4[%mul3A_2] : memref<16384xi32, #tpu.memory_space<hbm>> -> memref<512xi32, #tpu.memory_space<hbm>>
      %dma_wait3A_100 = tpu.memref_slice %arg4[%mul3A_2] : memref<16384xi32, #tpu.memory_space<hbm>> -> memref<512xi32, #tpu.memory_space<hbm>>
      tpu.wait_dma2 semaphore(%run_scoped3A : memref<!tpu.dma_semaphore, #tpu.memory_space<semaphore_mem>>) src(%dma_wait3A_100 : memref<512xi32, #tpu.memory_space<hbm>>) dst(%arg8 : memref<512xi32, #tpu.memory_space<vmem>>)
      tpu.yield
    }) : () -> ()
    %dma_start3A = arith.constant 0 : i32
    %dma_start3A_3 = tpu.memref_slice %arg8[%dma_start3A] : memref<512xi32, #tpu.memory_space<vmem>> -> memref<128xi32, #tpu.memory_space<vmem>>
    %dma_start3A_4 = arith.constant 0 : i32
    %dma_start3A_5 = arith.constant 0 : i32
    %dma_start3A_6 = tpu.memref_slice %arg2[%dma_start3A_4, %dma_start3A_5] : memref<100000x64xf32, #tpu.memory_space<hbm>> -> memref<100000x64xf32, #tpu.memory_space<hbm>>
    tpu.enqueue_indirect_dma source(%dma_start3A_6 : memref<100000x64xf32, #tpu.memory_space<hbm>>) target(%arg9 : memref<128x64xf32, #tpu.memory_space<vmem>>) offsets(%dma_start3A_3 : memref<128xi32, #tpu.memory_space<vmem>>) semaphore(%arg11 : memref<!tpu.dma_semaphore, #tpu.memory_space<semaphore_mem>>)
    %dma_wait3A = arith.constant 0 : i32
    %dma_wait3A_7 = tpu.memref_slice %arg8[%dma_wait3A] : memref<512xi32, #tpu.memory_space<vmem>> -> memref<128xi32, #tpu.memory_space<vmem>>
    %dma_wait3A_8 = arith.constant 0 : i32
    %dma_wait3A_9 = arith.constant 0 : i32
    %dma_wait3A_10 = tpu.memref_slice %arg2[%dma_wait3A_8, %dma_wait3A_9] : memref<100000x64xf32, #tpu.memory_space<hbm>> -> memref<100000x64xf32, #tpu.memory_space<hbm>>
    tpu.wait_indirect_dma semaphore(%arg11 : memref<!tpu.dma_semaphore, #tpu.memory_space<semaphore_mem>>) src(%dma_wait3A_10 : memref<100000x64xf32, #tpu.memory_space<hbm>>) dst(%arg9 : memref<128x64xf32, #tpu.memory_space<vmem>>)
    %dma_start3A_11 = arith.constant 128 : i32
    %dma_start3A_12 = tpu.memref_slice %arg8[%dma_start3A_11] : memref<512xi32, #tpu.memory_space<vmem>> -> memref<128xi32, #tpu.memory_space<vmem>>
    %dma_start3A_13 = arith.constant 0 : i32
    %dma_start3A_14 = arith.constant 0 : i32
    %dma_start3A_15 = tpu.memref_slice %arg2[%dma_start3A_13, %dma_start3A_14] : memref<100000x64xf32, #tpu.memory_space<hbm>> -> memref<100000x64xf32, #tpu.memory_space<hbm>>
    tpu.enqueue_indirect_dma source(%dma_start3A_15 : memref<100000x64xf32, #tpu.memory_space<hbm>>) target(%arg10 : memref<128x64xf32, #tpu.memory_space<vmem>>) offsets(%dma_start3A_12 : memref<128xi32, #tpu.memory_space<vmem>>) semaphore(%arg12 : memref<!tpu.dma_semaphore, #tpu.memory_space<semaphore_mem>>)
    %add3A_16 = arith.constant 0 : i32
    %add3A_17 = arith.addi %mul3A_2, %add3A_16 : i32
    "tpu.region"() ({
      %run_scoped3A = tpu.sem_alloc : memref<!tpu.dma_semaphore, #tpu.memory_space<semaphore_mem>>
      %dma_start3A_97 = arith.constant 0 : i32
      %dma_start3A_98 = tpu.memref_slice %arg6[%add3A_17, %dma_start3A_97] : memref<16384x64xf32, #tpu.memory_space<hbm>> -> memref<128x64xf32, #tpu.memory_space<hbm>>
      %dma_start3A_99 = arith.constant 0 : i32
      %dma_start3A_100 = tpu.memref_slice %arg6[%add3A_17, %dma_start3A_99] : memref<16384x64xf32, #tpu.memory_space<hbm>> -> memref<128x64xf32, #tpu.memory_space<hbm>>
      tpu.enqueue_dma source(%arg9 : memref<128x64xf32, #tpu.memory_space<vmem>>) target(%dma_start3A_100 : memref<128x64xf32, #tpu.memory_space<hbm>>) target_semaphore(%run_scoped3A : memref<!tpu.dma_semaphore, #tpu.memory_space<semaphore_mem>>)
      %dma_wait3A_101 = arith.constant 0 : i32
      %dma_wait3A_102 = tpu.memref_slice %arg6[%add3A_17, %dma_wait3A_101] : memref<16384x64xf32, #tpu.memory_space<hbm>> -> memref<128x64xf32, #tpu.memory_space<hbm>>
      %dma_wait3A_103 = arith.constant 0 : i32
      %dma_wait3A_104 = tpu.memref_slice %arg6[%add3A_17, %dma_wait3A_103] : memref<16384x64xf32, #tpu.memory_space<hbm>> -> memref<128x64xf32, #tpu.memory_space<hbm>>
      tpu.wait_dma2 semaphore(%run_scoped3A : memref<!tpu.dma_semaphore, #tpu.memory_space<semaphore_mem>>) src(%arg9 : memref<128x64xf32, #tpu.memory_space<vmem>>) dst(%dma_wait3A_104 : memref<128x64xf32, #tpu.memory_space<hbm>>)
      tpu.yield
    }) : () -> ()
    %dma_wait3A_18 = arith.constant 128 : i32
    %dma_wait3A_19 = tpu.memref_slice %arg8[%dma_wait3A_18] : memref<512xi32, #tpu.memory_space<vmem>> -> memref<128xi32, #tpu.memory_space<vmem>>
    %dma_wait3A_20 = arith.constant 0 : i32
    %dma_wait3A_21 = arith.constant 0 : i32
    %dma_wait3A_22 = tpu.memref_slice %arg2[%dma_wait3A_20, %dma_wait3A_21] : memref<100000x64xf32, #tpu.memory_space<hbm>> -> memref<100000x64xf32, #tpu.memory_space<hbm>>
    tpu.wait_indirect_dma semaphore(%arg12 : memref<!tpu.dma_semaphore, #tpu.memory_space<semaphore_mem>>) src(%dma_wait3A_22 : memref<100000x64xf32, #tpu.memory_space<hbm>>) dst(%arg10 : memref<128x64xf32, #tpu.memory_space<vmem>>)
    %dma_start3A_23 = arith.constant 256 : i32
    %dma_start3A_24 = tpu.memref_slice %arg8[%dma_start3A_23] : memref<512xi32, #tpu.memory_space<vmem>> -> memref<128xi32, #tpu.memory_space<vmem>>
    %dma_start3A_25 = arith.constant 0 : i32
    %dma_start3A_26 = arith.constant 0 : i32
    %dma_start3A_27 = tpu.memref_slice %arg2[%dma_start3A_25, %dma_start3A_26] : memref<100000x64xf32, #tpu.memory_space<hbm>> -> memref<100000x64xf32, #tpu.memory_space<hbm>>
    tpu.enqueue_indirect_dma source(%dma_start3A_27 : memref<100000x64xf32, #tpu.memory_space<hbm>>) target(%arg9 : memref<128x64xf32, #tpu.memory_space<vmem>>) offsets(%dma_start3A_24 : memref<128xi32, #tpu.memory_space<vmem>>) semaphore(%arg11 : memref<!tpu.dma_semaphore, #tpu.memory_space<semaphore_mem>>)
    %add3A_28 = arith.constant 128 : i32
    %add3A_29 = arith.addi %mul3A_2, %add3A_28 : i32
    "tpu.region"() ({
      %run_scoped3A = tpu.sem_alloc : memref<!tpu.dma_semaphore, #tpu.memory_space<semaphore_mem>>
      %dma_start3A_97 = arith.constant 0 : i32
      %dma_start3A_98 = tpu.memref_slice %arg6[%add3A_29, %dma_start3A_97] : memref<16384x64xf32, #tpu.memory_space<hbm>> -> memref<128x64xf32, #tpu.memory_space<hbm>>
      %dma_start3A_99 = arith.constant 0 : i32
      %dma_start3A_100 = tpu.memref_slice %arg6[%add3A_29, %dma_start3A_99] : memref<16384x64xf32, #tpu.memory_space<hbm>> -> memref<128x64xf32, #tpu.memory_space<hbm>>
      tpu.enqueue_dma source(%arg10 : memref<128x64xf32, #tpu.memory_space<vmem>>) target(%dma_start3A_100 : memref<128x64xf32, #tpu.memory_space<hbm>>) target_semaphore(%run_scoped3A : memref<!tpu.dma_semaphore, #tpu.memory_space<semaphore_mem>>)
      %dma_wait3A_101 = arith.constant 0 : i32
      %dma_wait3A_102 = tpu.memref_slice %arg6[%add3A_29, %dma_wait3A_101] : memref<16384x64xf32, #tpu.memory_space<hbm>> -> memref<128x64xf32, #tpu.memory_space<hbm>>
      %dma_wait3A_103 = arith.constant 0 : i32
      %dma_wait3A_104 = tpu.memref_slice %arg6[%add3A_29, %dma_wait3A_103] : memref<16384x64xf32, #tpu.memory_space<hbm>> -> memref<128x64xf32, #tpu.memory_space<hbm>>
      tpu.wait_dma2 semaphore(%run_scoped3A : memref<!tpu.dma_semaphore, #tpu.memory_space<semaphore_mem>>) src(%arg10 : memref<128x64xf32, #tpu.memory_space<vmem>>) dst(%dma_wait3A_104 : memref<128x64xf32, #tpu.memory_space<hbm>>)
      tpu.yield
    }) : () -> ()
    %dma_wait3A_30 = arith.constant 256 : i32
    %dma_wait3A_31 = tpu.memref_slice %arg8[%dma_wait3A_30] : memref<512xi32, #tpu.memory_space<vmem>> -> memref<128xi32, #tpu.memory_space<vmem>>
    %dma_wait3A_32 = arith.constant 0 : i32
    %dma_wait3A_33 = arith.constant 0 : i32
    %dma_wait3A_34 = tpu.memref_slice %arg2[%dma_wait3A_32, %dma_wait3A_33] : memref<100000x64xf32, #tpu.memory_space<hbm>> -> memref<100000x64xf32, #tpu.memory_space<hbm>>
    tpu.wait_indirect_dma semaphore(%arg11 : memref<!tpu.dma_semaphore, #tpu.memory_space<semaphore_mem>>) src(%dma_wait3A_34 : memref<100000x64xf32, #tpu.memory_space<hbm>>) dst(%arg9 : memref<128x64xf32, #tpu.memory_space<vmem>>)
    %dma_start3A_35 = arith.constant 384 : i32
    %dma_start3A_36 = tpu.memref_slice %arg8[%dma_start3A_35] : memref<512xi32, #tpu.memory_space<vmem>> -> memref<128xi32, #tpu.memory_space<vmem>>
    %dma_start3A_37 = arith.constant 0 : i32
    %dma_start3A_38 = arith.constant 0 : i32
    %dma_start3A_39 = tpu.memref_slice %arg2[%dma_start3A_37, %dma_start3A_38] : memref<100000x64xf32, #tpu.memory_space<hbm>> -> memref<100000x64xf32, #tpu.memory_space<hbm>>
    tpu.enqueue_indirect_dma source(%dma_start3A_39 : memref<100000x64xf32, #tpu.memory_space<hbm>>) target(%arg10 : memref<128x64xf32, #tpu.memory_space<vmem>>) offsets(%dma_start3A_36 : memref<128xi32, #tpu.memory_space<vmem>>) semaphore(%arg12 : memref<!tpu.dma_semaphore, #tpu.memory_space<semaphore_mem>>)
    %add3A_40 = arith.constant 256 : i32
    %add3A_41 = arith.addi %mul3A_2, %add3A_40 : i32
    "tpu.region"() ({
      %run_scoped3A = tpu.sem_alloc : memref<!tpu.dma_semaphore, #tpu.memory_space<semaphore_mem>>
      %dma_start3A_97 = arith.constant 0 : i32
      %dma_start3A_98 = tpu.memref_slice %arg6[%add3A_41, %dma_start3A_97] : memref<16384x64xf32, #tpu.memory_space<hbm>> -> memref<128x64xf32, #tpu.memory_space<hbm>>
      %dma_start3A_99 = arith.constant 0 : i32
      %dma_start3A_100 = tpu.memref_slice %arg6[%add3A_41, %dma_start3A_99] : memref<16384x64xf32, #tpu.memory_space<hbm>> -> memref<128x64xf32, #tpu.memory_space<hbm>>
      tpu.enqueue_dma source(%arg9 : memref<128x64xf32, #tpu.memory_space<vmem>>) target(%dma_start3A_100 : memref<128x64xf32, #tpu.memory_space<hbm>>) target_semaphore(%run_scoped3A : memref<!tpu.dma_semaphore, #tpu.memory_space<semaphore_mem>>)
      %dma_wait3A_101 = arith.constant 0 : i32
      %dma_wait3A_102 = tpu.memref_slice %arg6[%add3A_41, %dma_wait3A_101] : memref<16384x64xf32, #tpu.memory_space<hbm>> -> memref<128x64xf32, #tpu.memory_space<hbm>>
      %dma_wait3A_103 = arith.constant 0 : i32
      %dma_wait3A_104 = tpu.memref_slice %arg6[%add3A_41, %dma_wait3A_103] : memref<16384x64xf32, #tpu.memory_space<hbm>> -> memref<128x64xf32, #tpu.memory_space<hbm>>
      tpu.wait_dma2 semaphore(%run_scoped3A : memref<!tpu.dma_semaphore, #tpu.memory_space<semaphore_mem>>) src(%arg9 : memref<128x64xf32, #tpu.memory_space<vmem>>) dst(%dma_wait3A_104 : memref<128x64xf32, #tpu.memory_space<hbm>>)
      tpu.yield
    }) : () -> ()
    %dma_wait3A_42 = arith.constant 384 : i32
    %dma_wait3A_43 = tpu.memref_slice %arg8[%dma_wait3A_42] : memref<512xi32, #tpu.memory_space<vmem>> -> memref<128xi32, #tpu.memory_space<vmem>>
    %dma_wait3A_44 = arith.constant 0 : i32
    %dma_wait3A_45 = arith.constant 0 : i32
    %dma_wait3A_46 = tpu.memref_slice %arg2[%dma_wait3A_44, %dma_wait3A_45] : memref<100000x64xf32, #tpu.memory_space<hbm>> -> memref<100000x64xf32, #tpu.memory_space<hbm>>
    tpu.wait_indirect_dma semaphore(%arg12 : memref<!tpu.dma_semaphore, #tpu.memory_space<semaphore_mem>>) src(%dma_wait3A_46 : memref<100000x64xf32, #tpu.memory_space<hbm>>) dst(%arg10 : memref<128x64xf32, #tpu.memory_space<vmem>>)
    %add3A_47 = arith.constant 384 : i32
    %add3A_48 = arith.addi %mul3A_2, %add3A_47 : i32
    "tpu.region"() ({
      %run_scoped3A = tpu.sem_alloc : memref<!tpu.dma_semaphore, #tpu.memory_space<semaphore_mem>>
      %dma_start3A_97 = arith.constant 0 : i32
      %dma_start3A_98 = tpu.memref_slice %arg6[%add3A_48, %dma_start3A_97] : memref<16384x64xf32, #tpu.memory_space<hbm>> -> memref<128x64xf32, #tpu.memory_space<hbm>>
      %dma_start3A_99 = arith.constant 0 : i32
      %dma_start3A_100 = tpu.memref_slice %arg6[%add3A_48, %dma_start3A_99] : memref<16384x64xf32, #tpu.memory_space<hbm>> -> memref<128x64xf32, #tpu.memory_space<hbm>>
      tpu.enqueue_dma source(%arg10 : memref<128x64xf32, #tpu.memory_space<vmem>>) target(%dma_start3A_100 : memref<128x64xf32, #tpu.memory_space<hbm>>) target_semaphore(%run_scoped3A : memref<!tpu.dma_semaphore, #tpu.memory_space<semaphore_mem>>)
      %dma_wait3A_101 = arith.constant 0 : i32
      %dma_wait3A_102 = tpu.memref_slice %arg6[%add3A_48, %dma_wait3A_101] : memref<16384x64xf32, #tpu.memory_space<hbm>> -> memref<128x64xf32, #tpu.memory_space<hbm>>
      %dma_wait3A_103 = arith.constant 0 : i32
      %dma_wait3A_104 = tpu.memref_slice %arg6[%add3A_48, %dma_wait3A_103] : memref<16384x64xf32, #tpu.memory_space<hbm>> -> memref<128x64xf32, #tpu.memory_space<hbm>>
      tpu.wait_dma2 semaphore(%run_scoped3A : memref<!tpu.dma_semaphore, #tpu.memory_space<semaphore_mem>>) src(%arg10 : memref<128x64xf32, #tpu.memory_space<vmem>>) dst(%dma_wait3A_104 : memref<128x64xf32, #tpu.memory_space<hbm>>)
      tpu.yield
    }) : () -> ()
    "tpu.region"() ({
      %run_scoped3A = tpu.sem_alloc : memref<!tpu.dma_semaphore, #tpu.memory_space<semaphore_mem>>
      %dma_start3A_97 = tpu.memref_slice %arg5[%mul3A_2] : memref<16384xi32, #tpu.memory_space<hbm>> -> memref<512xi32, #tpu.memory_space<hbm>>
      %dma_start3A_98 = tpu.memref_slice %arg5[%mul3A_2] : memref<16384xi32, #tpu.memory_space<hbm>> -> memref<512xi32, #tpu.memory_space<hbm>>
      tpu.enqueue_dma source(%dma_start3A_98 : memref<512xi32, #tpu.memory_space<hbm>>) target(%arg8 : memref<512xi32, #tpu.memory_space<vmem>>) target_semaphore(%run_scoped3A : memref<!tpu.dma_semaphore, #tpu.memory_space<semaphore_mem>>)
      %dma_wait3A_99 = tpu.memref_slice %arg5[%mul3A_2] : memref<16384xi32, #tpu.memory_space<hbm>> -> memref<512xi32, #tpu.memory_space<hbm>>
      %dma_wait3A_100 = tpu.memref_slice %arg5[%mul3A_2] : memref<16384xi32, #tpu.memory_space<hbm>> -> memref<512xi32, #tpu.memory_space<hbm>>
      tpu.wait_dma2 semaphore(%run_scoped3A : memref<!tpu.dma_semaphore, #tpu.memory_space<semaphore_mem>>) src(%dma_wait3A_100 : memref<512xi32, #tpu.memory_space<hbm>>) dst(%arg8 : memref<512xi32, #tpu.memory_space<vmem>>)
      tpu.yield
    }) : () -> ()
    %dma_start3A_49 = arith.constant 0 : i32
    %dma_start3A_50 = tpu.memref_slice %arg8[%dma_start3A_49] : memref<512xi32, #tpu.memory_space<vmem>> -> memref<128xi32, #tpu.memory_space<vmem>>
    %dma_start3A_51 = arith.constant 0 : i32
    %dma_start3A_52 = arith.constant 0 : i32
    %dma_start3A_53 = tpu.memref_slice %arg3[%dma_start3A_51, %dma_start3A_52] : memref<1000000x64xf32, #tpu.memory_space<hbm>> -> memref<1000000x64xf32, #tpu.memory_space<hbm>>
    tpu.enqueue_indirect_dma source(%dma_start3A_53 : memref<1000000x64xf32, #tpu.memory_space<hbm>>) target(%arg9 : memref<128x64xf32, #tpu.memory_space<vmem>>) offsets(%dma_start3A_50 : memref<128xi32, #tpu.memory_space<vmem>>) semaphore(%arg11 : memref<!tpu.dma_semaphore, #tpu.memory_space<semaphore_mem>>)
    %dma_wait3A_54 = arith.constant 0 : i32
    %dma_wait3A_55 = tpu.memref_slice %arg8[%dma_wait3A_54] : memref<512xi32, #tpu.memory_space<vmem>> -> memref<128xi32, #tpu.memory_space<vmem>>
    %dma_wait3A_56 = arith.constant 0 : i32
    %dma_wait3A_57 = arith.constant 0 : i32
    %dma_wait3A_58 = tpu.memref_slice %arg3[%dma_wait3A_56, %dma_wait3A_57] : memref<1000000x64xf32, #tpu.memory_space<hbm>> -> memref<1000000x64xf32, #tpu.memory_space<hbm>>
    tpu.wait_indirect_dma semaphore(%arg11 : memref<!tpu.dma_semaphore, #tpu.memory_space<semaphore_mem>>) src(%dma_wait3A_58 : memref<1000000x64xf32, #tpu.memory_space<hbm>>) dst(%arg9 : memref<128x64xf32, #tpu.memory_space<vmem>>)
    %dma_start3A_59 = arith.constant 128 : i32
    %dma_start3A_60 = tpu.memref_slice %arg8[%dma_start3A_59] : memref<512xi32, #tpu.memory_space<vmem>> -> memref<128xi32, #tpu.memory_space<vmem>>
    %dma_start3A_61 = arith.constant 0 : i32
    %dma_start3A_62 = arith.constant 0 : i32
    %dma_start3A_63 = tpu.memref_slice %arg3[%dma_start3A_61, %dma_start3A_62] : memref<1000000x64xf32, #tpu.memory_space<hbm>> -> memref<1000000x64xf32, #tpu.memory_space<hbm>>
    tpu.enqueue_indirect_dma source(%dma_start3A_63 : memref<1000000x64xf32, #tpu.memory_space<hbm>>) target(%arg10 : memref<128x64xf32, #tpu.memory_space<vmem>>) offsets(%dma_start3A_60 : memref<128xi32, #tpu.memory_space<vmem>>) semaphore(%arg12 : memref<!tpu.dma_semaphore, #tpu.memory_space<semaphore_mem>>)
    %add3A_64 = arith.constant 0 : i32
    %add3A_65 = arith.addi %mul3A_2, %add3A_64 : i32
    "tpu.region"() ({
      %run_scoped3A = tpu.sem_alloc : memref<!tpu.dma_semaphore, #tpu.memory_space<semaphore_mem>>
      %dma_start3A_97 = arith.constant 0 : i32
      %dma_start3A_98 = tpu.memref_slice %arg7[%add3A_65, %dma_start3A_97] : memref<16384x64xf32, #tpu.memory_space<hbm>> -> memref<128x64xf32, #tpu.memory_space<hbm>>
      %dma_start3A_99 = arith.constant 0 : i32
      %dma_start3A_100 = tpu.memref_slice %arg7[%add3A_65, %dma_start3A_99] : memref<16384x64xf32, #tpu.memory_space<hbm>> -> memref<128x64xf32, #tpu.memory_space<hbm>>
      tpu.enqueue_dma source(%arg9 : memref<128x64xf32, #tpu.memory_space<vmem>>) target(%dma_start3A_100 : memref<128x64xf32, #tpu.memory_space<hbm>>) target_semaphore(%run_scoped3A : memref<!tpu.dma_semaphore, #tpu.memory_space<semaphore_mem>>)
      %dma_wait3A_101 = arith.constant 0 : i32
      %dma_wait3A_102 = tpu.memref_slice %arg7[%add3A_65, %dma_wait3A_101] : memref<16384x64xf32, #tpu.memory_space<hbm>> -> memref<128x64xf32, #tpu.memory_space<hbm>>
      %dma_wait3A_103 = arith.constant 0 : i32
      %dma_wait3A_104 = tpu.memref_slice %arg7[%add3A_65, %dma_wait3A_103] : memref<16384x64xf32, #tpu.memory_space<hbm>> -> memref<128x64xf32, #tpu.memory_space<hbm>>
      tpu.wait_dma2 semaphore(%run_scoped3A : memref<!tpu.dma_semaphore, #tpu.memory_space<semaphore_mem>>) src(%arg9 : memref<128x64xf32, #tpu.memory_space<vmem>>) dst(%dma_wait3A_104 : memref<128x64xf32, #tpu.memory_space<hbm>>)
      tpu.yield
    }) : () -> ()
    %dma_wait3A_66 = arith.constant 128 : i32
    %dma_wait3A_67 = tpu.memref_slice %arg8[%dma_wait3A_66] : memref<512xi32, #tpu.memory_space<vmem>> -> memref<128xi32, #tpu.memory_space<vmem>>
    %dma_wait3A_68 = arith.constant 0 : i32
    %dma_wait3A_69 = arith.constant 0 : i32
    %dma_wait3A_70 = tpu.memref_slice %arg3[%dma_wait3A_68, %dma_wait3A_69] : memref<1000000x64xf32, #tpu.memory_space<hbm>> -> memref<1000000x64xf32, #tpu.memory_space<hbm>>
    tpu.wait_indirect_dma semaphore(%arg12 : memref<!tpu.dma_semaphore, #tpu.memory_space<semaphore_mem>>) src(%dma_wait3A_70 : memref<1000000x64xf32, #tpu.memory_space<hbm>>) dst(%arg10 : memref<128x64xf32, #tpu.memory_space<vmem>>)
    %dma_start3A_71 = arith.constant 256 : i32
    %dma_start3A_72 = tpu.memref_slice %arg8[%dma_start3A_71] : memref<512xi32, #tpu.memory_space<vmem>> -> memref<128xi32, #tpu.memory_space<vmem>>
    %dma_start3A_73 = arith.constant 0 : i32
    %dma_start3A_74 = arith.constant 0 : i32
    %dma_start3A_75 = tpu.memref_slice %arg3[%dma_start3A_73, %dma_start3A_74] : memref<1000000x64xf32, #tpu.memory_space<hbm>> -> memref<1000000x64xf32, #tpu.memory_space<hbm>>
    tpu.enqueue_indirect_dma source(%dma_start3A_75 : memref<1000000x64xf32, #tpu.memory_space<hbm>>) target(%arg9 : memref<128x64xf32, #tpu.memory_space<vmem>>) offsets(%dma_start3A_72 : memref<128xi32, #tpu.memory_space<vmem>>) semaphore(%arg11 : memref<!tpu.dma_semaphore, #tpu.memory_space<semaphore_mem>>)
    %add3A_76 = arith.constant 128 : i32
    %add3A_77 = arith.addi %mul3A_2, %add3A_76 : i32
    "tpu.region"() ({
      %run_scoped3A = tpu.sem_alloc : memref<!tpu.dma_semaphore, #tpu.memory_space<semaphore_mem>>
      %dma_start3A_97 = arith.constant 0 : i32
      %dma_start3A_98 = tpu.memref_slice %arg7[%add3A_77, %dma_start3A_97] : memref<16384x64xf32, #tpu.memory_space<hbm>> -> memref<128x64xf32, #tpu.memory_space<hbm>>
      %dma_start3A_99 = arith.constant 0 : i32
      %dma_start3A_100 = tpu.memref_slice %arg7[%add3A_77, %dma_start3A_99] : memref<16384x64xf32, #tpu.memory_space<hbm>> -> memref<128x64xf32, #tpu.memory_space<hbm>>
      tpu.enqueue_dma source(%arg10 : memref<128x64xf32, #tpu.memory_space<vmem>>) target(%dma_start3A_100 : memref<128x64xf32, #tpu.memory_space<hbm>>) target_semaphore(%run_scoped3A : memref<!tpu.dma_semaphore, #tpu.memory_space<semaphore_mem>>)
      %dma_wait3A_101 = arith.constant 0 : i32
      %dma_wait3A_102 = tpu.memref_slice %arg7[%add3A_77, %dma_wait3A_101] : memref<16384x64xf32, #tpu.memory_space<hbm>> -> memref<128x64xf32, #tpu.memory_space<hbm>>
      %dma_wait3A_103 = arith.constant 0 : i32
      %dma_wait3A_104 = tpu.memref_slice %arg7[%add3A_77, %dma_wait3A_103] : memref<16384x64xf32, #tpu.memory_space<hbm>> -> memref<128x64xf32, #tpu.memory_space<hbm>>
      tpu.wait_dma2 semaphore(%run_scoped3A : memref<!tpu.dma_semaphore, #tpu.memory_space<semaphore_mem>>) src(%arg10 : memref<128x64xf32, #tpu.memory_space<vmem>>) dst(%dma_wait3A_104 : memref<128x64xf32, #tpu.memory_space<hbm>>)
      tpu.yield
    }) : () -> ()
    %dma_wait3A_78 = arith.constant 256 : i32
    %dma_wait3A_79 = tpu.memref_slice %arg8[%dma_wait3A_78] : memref<512xi32, #tpu.memory_space<vmem>> -> memref<128xi32, #tpu.memory_space<vmem>>
    %dma_wait3A_80 = arith.constant 0 : i32
    %dma_wait3A_81 = arith.constant 0 : i32
    %dma_wait3A_82 = tpu.memref_slice %arg3[%dma_wait3A_80, %dma_wait3A_81] : memref<1000000x64xf32, #tpu.memory_space<hbm>> -> memref<1000000x64xf32, #tpu.memory_space<hbm>>
    tpu.wait_indirect_dma semaphore(%arg11 : memref<!tpu.dma_semaphore, #tpu.memory_space<semaphore_mem>>) src(%dma_wait3A_82 : memref<1000000x64xf32, #tpu.memory_space<hbm>>) dst(%arg9 : memref<128x64xf32, #tpu.memory_space<vmem>>)
    %dma_start3A_83 = arith.constant 384 : i32
    %dma_start3A_84 = tpu.memref_slice %arg8[%dma_start3A_83] : memref<512xi32, #tpu.memory_space<vmem>> -> memref<128xi32, #tpu.memory_space<vmem>>
    %dma_start3A_85 = arith.constant 0 : i32
    %dma_start3A_86 = arith.constant 0 : i32
    %dma_start3A_87 = tpu.memref_slice %arg3[%dma_start3A_85, %dma_start3A_86] : memref<1000000x64xf32, #tpu.memory_space<hbm>> -> memref<1000000x64xf32, #tpu.memory_space<hbm>>
    tpu.enqueue_indirect_dma source(%dma_start3A_87 : memref<1000000x64xf32, #tpu.memory_space<hbm>>) target(%arg10 : memref<128x64xf32, #tpu.memory_space<vmem>>) offsets(%dma_start3A_84 : memref<128xi32, #tpu.memory_space<vmem>>) semaphore(%arg12 : memref<!tpu.dma_semaphore, #tpu.memory_space<semaphore_mem>>)
    %add3A_88 = arith.constant 256 : i32
    %add3A_89 = arith.addi %mul3A_2, %add3A_88 : i32
    "tpu.region"() ({
      %run_scoped3A = tpu.sem_alloc : memref<!tpu.dma_semaphore, #tpu.memory_space<semaphore_mem>>
      %dma_start3A_97 = arith.constant 0 : i32
      %dma_start3A_98 = tpu.memref_slice %arg7[%add3A_89, %dma_start3A_97] : memref<16384x64xf32, #tpu.memory_space<hbm>> -> memref<128x64xf32, #tpu.memory_space<hbm>>
      %dma_start3A_99 = arith.constant 0 : i32
      %dma_start3A_100 = tpu.memref_slice %arg7[%add3A_89, %dma_start3A_99] : memref<16384x64xf32, #tpu.memory_space<hbm>> -> memref<128x64xf32, #tpu.memory_space<hbm>>
      tpu.enqueue_dma source(%arg9 : memref<128x64xf32, #tpu.memory_space<vmem>>) target(%dma_start3A_100 : memref<128x64xf32, #tpu.memory_space<hbm>>) target_semaphore(%run_scoped3A : memref<!tpu.dma_semaphore, #tpu.memory_space<semaphore_mem>>)
      %dma_wait3A_101 = arith.constant 0 : i32
      %dma_wait3A_102 = tpu.memref_slice %arg7[%add3A_89, %dma_wait3A_101] : memref<16384x64xf32, #tpu.memory_space<hbm>> -> memref<128x64xf32, #tpu.memory_space<hbm>>
      %dma_wait3A_103 = arith.constant 0 : i32
      %dma_wait3A_104 = tpu.memref_slice %arg7[%add3A_89, %dma_wait3A_103] : memref<16384x64xf32, #tpu.memory_space<hbm>> -> memref<128x64xf32, #tpu.memory_space<hbm>>
      tpu.wait_dma2 semaphore(%run_scoped3A : memref<!tpu.dma_semaphore, #tpu.memory_space<semaphore_mem>>) src(%arg9 : memref<128x64xf32, #tpu.memory_space<vmem>>) dst(%dma_wait3A_104 : memref<128x64xf32, #tpu.memory_space<hbm>>)
      tpu.yield
    }) : () -> ()
    %dma_wait3A_90 = arith.constant 384 : i32
    %dma_wait3A_91 = tpu.memref_slice %arg8[%dma_wait3A_90] : memref<512xi32, #tpu.memory_space<vmem>> -> memref<128xi32, #tpu.memory_space<vmem>>
    %dma_wait3A_92 = arith.constant 0 : i32
    %dma_wait3A_93 = arith.constant 0 : i32
    %dma_wait3A_94 = tpu.memref_slice %arg3[%dma_wait3A_92, %dma_wait3A_93] : memref<1000000x64xf32, #tpu.memory_space<hbm>> -> memref<1000000x64xf32, #tpu.memory_space<hbm>>
    tpu.wait_indirect_dma semaphore(%arg12 : memref<!tpu.dma_semaphore, #tpu.memory_space<semaphore_mem>>) src(%dma_wait3A_94 : memref<1000000x64xf32, #tpu.memory_space<hbm>>) dst(%arg10 : memref<128x64xf32, #tpu.memory_space<vmem>>)
    %add3A_95 = arith.constant 384 : i32
    %add3A_96 = arith.addi %mul3A_2, %add3A_95 : i32
    "tpu.region"() ({
      %run_scoped3A = tpu.sem_alloc : memref<!tpu.dma_semaphore, #tpu.memory_space<semaphore_mem>>
      %dma_start3A_97 = arith.constant 0 : i32
      %dma_start3A_98 = tpu.memref_slice %arg7[%add3A_96, %dma_start3A_97] : memref<16384x64xf32, #tpu.memory_space<hbm>> -> memref<128x64xf32, #tpu.memory_space<hbm>>
      %dma_start3A_99 = arith.constant 0 : i32
      %dma_start3A_100 = tpu.memref_slice %arg7[%add3A_96, %dma_start3A_99] : memref<16384x64xf32, #tpu.memory_space<hbm>> -> memref<128x64xf32, #tpu.memory_space<hbm>>
      tpu.enqueue_dma source(%arg10 : memref<128x64xf32, #tpu.memory_space<vmem>>) target(%dma_start3A_100 : memref<128x64xf32, #tpu.memory_space<hbm>>) target_semaphore(%run_scoped3A : memref<!tpu.dma_semaphore, #tpu.memory_space<semaphore_mem>>)
      %dma_wait3A_101 = arith.constant 0 : i32
      %dma_wait3A_102 = tpu.memref_slice %arg7[%add3A_96, %dma_wait3A_101] : memref<16384x64xf32, #tpu.memory_space<hbm>> -> memref<128x64xf32, #tpu.memory_space<hbm>>
      %dma_wait3A_103 = arith.constant 0 : i32
      %dma_wait3A_104 = tpu.memref_slice %arg7[%add3A_96, %dma_wait3A_103] : memref<16384x64xf32, #tpu.memory_space<hbm>> -> memref<128x64xf32, #tpu.memory_space<hbm>>
      tpu.wait_dma2 semaphore(%run_scoped3A : memref<!tpu.dma_semaphore, #tpu.memory_space<semaphore_mem>>) src(%arg10 : memref<128x64xf32, #tpu.memory_space<vmem>>) dst(%dma_wait3A_104 : memref<128x64xf32, #tpu.memory_space<hbm>>)
      tpu.yield
    }) : () -> ()
    return
  }
}

module attributes {stable_mosaic.version = 14 : i64} {
  func.func @_onehot_body(%arg0: i32, %arg1: memref<1024xi32, #tpu.memory_space<vmem>>, %arg2: memref<1024xi32, #tpu.memory_space<vmem>>, %arg3: memref<1000x64xf32, #tpu.memory_space<vmem>>, %arg4: memref<1000x64xf32, #tpu.memory_space<vmem>>, %arg5: memref<1024x64xf32, #tpu.memory_space<vmem>>, %arg6: memref<1024x64xf32, #tpu.memory_space<vmem>>) attributes {dimension_semantics = [#tpu.dimension_semantics<arbitrary>], iteration_bounds = array<i64: 16>, scalar_prefetch = 0 : i64, scratch_operands = 0 : i64, tpu.core_type = #tpu.core_type<tc>, window_params = [{transform_indices = @transform_0, window_bounds = array<i64: 1024>}, {transform_indices = @transform_1, window_bounds = array<i64: 1024>}, {pipeline_mode = #tpu.pipeline_mode<synchronous>, transform_indices = @transform_2, window_bounds = array<i64: 1000, 64>}, {pipeline_mode = #tpu.pipeline_mode<synchronous>, transform_indices = @transform_3, window_bounds = array<i64: 1000, 64>}, {transform_indices = @transform_4, window_bounds = array<i64: 1024, 64>}, {transform_indices = @transform_5, window_bounds = array<i64: 1024, 64>}]} {
    %iota3A = tpu.iota {dimensions = array<i32: 1>} : vector<1024x1000xi32>
    %get3A = arith.constant 0 : index
    %get3A_0 = vector.load %arg1[%get3A] : memref<1024xi32, #tpu.memory_space<vmem>>, vector<1024xi32>
    %broadcast_in_dim3A = vector.shape_cast %get3A_0 : vector<1024xi32> to vector<1024x1xi32>
    %eq3A = vector.broadcast %broadcast_in_dim3A : vector<1024x1xi32> to vector<1024x1000xi32>
    %eq3A_1 = arith.cmpi eq, %eq3A, %iota3A : vector<1024x1000xi32>
    %convert_element_type3A = arith.extui %eq3A_1 : vector<1024x1000xi1> to vector<1024x1000xi32>
    %convert_element_type3A_2 = arith.sitofp %convert_element_type3A : vector<1024x1000xi32> to vector<1024x1000xf32>
    %get3A_3 = arith.constant 0 : index
    %get3A_4 = arith.constant 0 : index
    %get3A_5 = vector.load %arg3[%get3A_3, %get3A_4] : memref<1000x64xf32, #tpu.memory_space<vmem>>, vector<1000x64xf32>
    %dot_general3A = arith.constant dense<0.000000e+00> : vector<1024x64xf32>
    %dot_general3A_6 = tpu.matmul %convert_element_type3A_2, %get3A_5, %dot_general3A {dimension_numbers = #tpu.dot_dimension_numbers<[1], [0], [0], [1], [0, 0, 1, 1], [], []>, transpose_lhs_hint = false} : vector<1024x1000xf32>, vector<1000x64xf32>, vector<1024x64xf32> -> vector<1024x64xf32>
    %swap3A = arith.constant 0 : index
    %swap3A_7 = arith.constant 0 : index
    %swap3A_8 = vector.load %arg5[%swap3A, %swap3A_7] : memref<1024x64xf32, #tpu.memory_space<vmem>>, vector<1024x64xf32>
    tpu.vector_store %arg5[%swap3A, %swap3A_7], %dot_general3A_6 {strides = array<i32>} : memref<1024x64xf32, #tpu.memory_space<vmem>>, vector<1024x64xf32>,
    %get3A_9 = arith.constant 0 : index
    %get3A_10 = vector.load %arg2[%get3A_9] : memref<1024xi32, #tpu.memory_space<vmem>>, vector<1024xi32>
    %broadcast_in_dim3A_11 = vector.shape_cast %get3A_10 : vector<1024xi32> to vector<1024x1xi32>
    %eq3A_12 = vector.broadcast %broadcast_in_dim3A_11 : vector<1024x1xi32> to vector<1024x1000xi32>
    %eq3A_13 = arith.cmpi eq, %eq3A_12, %iota3A : vector<1024x1000xi32>
    %convert_element_type3A_14 = arith.extui %eq3A_13 : vector<1024x1000xi1> to vector<1024x1000xi32>
    %convert_element_type3A_15 = arith.sitofp %convert_element_type3A_14 : vector<1024x1000xi32> to vector<1024x1000xf32>
    %get3A_16 = arith.constant 0 : index
    %get3A_17 = arith.constant 0 : index
    %get3A_18 = vector.load %arg4[%get3A_16, %get3A_17] : memref<1000x64xf32, #tpu.memory_space<vmem>>, vector<1000x64xf32>
    %dot_general3A_19 = arith.constant dense<0.000000e+00> : vector<1024x64xf32>
    %dot_general3A_20 = tpu.matmul %convert_element_type3A_15, %get3A_18, %dot_general3A_19 {dimension_numbers = #tpu.dot_dimension_numbers<[1], [0], [0], [1], [0, 0, 1, 1], [], []>, transpose_lhs_hint = false} : vector<1024x1000xf32>, vector<1000x64xf32>, vector<1024x64xf32> -> vector<1024x64xf32>
    %swap3A_21 = arith.constant 0 : index
    %swap3A_22 = arith.constant 0 : index
    %swap3A_23 = vector.load %arg6[%swap3A_21, %swap3A_22] : memref<1024x64xf32, #tpu.memory_space<vmem>>, vector<1024x64xf32>
    tpu.vector_store %arg6[%swap3A_21, %swap3A_22], %dot_general3A_20 {strides = array<i32>} : memref<1024x64xf32, #tpu.memory_space<vmem>>, vector<1024x64xf32>,
    return
  }
  func.func @transform_0(%arg0: i32) -> i32 {
    %c0_i32 = arith.constant 0 : i32
    return %arg0 : i32
  }
  func.func @transform_1(%arg0: i32) -> i32 {
    %c0_i32 = arith.constant 0 : i32
    return %arg0 : i32
  }
  func.func @transform_2(%arg0: i32) -> (i32, i32) {
    %c0_i32 = arith.constant 0 : i32
    %c0_i32_0 = arith.constant 0 : i32
    %c0_i32_1 = arith.constant 0 : i32
    return %c0_i32, %c0_i32_0 : i32, i32
  }
  func.func @transform_3(%arg0: i32) -> (i32, i32) {
    %c0_i32 = arith.constant 0 : i32
    %c0_i32_0 = arith.constant 0 : i32
    %c0_i32_1 = arith.constant 0 : i32
    return %c0_i32, %c0_i32_0 : i32, i32
  }
  func.func @transform_4(%arg0: i32) -> (i32, i32) {
    %c0_i32 = arith.constant 0 : i32
    %c0_i32_0 = arith.constant 0 : i32
    return %arg0, %c0_i32 : i32, i32
  }
  func.func @transform_5(%arg0: i32) -> (i32, i32) {
    %c0_i32 = arith.constant 0 : i32
    %c0_i32_0 = arith.constant 0 : i32
    return %arg0, %c0_i32 : i32, i32
  }
}

module attributes {stable_mosaic.version = 14 : i64} {
  func.func @_tc_stats_body(%arg0: i32, %arg1: memref<2048x64xf32, #tpu.memory_space<vmem>>, %arg2: memref<2048x64xf32, #tpu.memory_space<vmem>>, %arg3: memref<2048x64xf32, #tpu.memory_space<vmem>>, %arg4: memref<2048x64xf32, #tpu.memory_space<vmem>>, %arg5: memref<2x256xf32, #tpu.memory_space<vmem>>) attributes {dimension_semantics = [#tpu.dimension_semantics<arbitrary>], iteration_bounds = array<i64: 8>, scalar_prefetch = 0 : i64, scratch_operands = 0 : i64, tpu.core_type = #tpu.core_type<tc>, window_params = [{transform_indices = @transform_0, window_bounds = array<i64: 2048, 64>}, {transform_indices = @transform_1, window_bounds = array<i64: 2048, 64>}, {transform_indices = @transform_2, window_bounds = array<i64: 2048, 64>}, {transform_indices = @transform_3, window_bounds = array<i64: 2048, 64>}, {pipeline_mode = #tpu.pipeline_mode<synchronous>, transform_indices = @transform_4, window_bounds = array<i64: 2, 256>}]} {
    %eq3A = arith.constant 0 : i32
    %eq3A_0 = arith.cmpi eq, %arg0, %eq3A : i32
    %convert_element_type3A = arith.extui %eq3A_0 : i1 to i32
    %cond3A = arith.constant 0 : i32
    %cond3A_1 = arith.cmpi ne, %convert_element_type3A, %cond3A : i32
    scf.if %cond3A_1 {
      %broadcast_in_dim3A = arith.constant 0.000000e+00 : f32
      %broadcast_in_dim3A_68 = vector.broadcast %broadcast_in_dim3A : f32 to vector<2x256xf32>
      %swap3A_69 = arith.constant 0 : index
      %swap3A_70 = arith.constant 0 : index
      %swap3A_71 = vector.load %arg5[%swap3A_69, %swap3A_70] : memref<2x256xf32, #tpu.memory_space<vmem>>, vector<2x256xf32>
      tpu.vector_store %arg5[%swap3A_69, %swap3A_70], %broadcast_in_dim3A_68 {strides = array<i32>} : memref<2x256xf32, #tpu.memory_space<vmem>>, vector<2x256xf32>,
    } else {
    }
    %get3A = arith.constant 0 : index
    %get3A_2 = arith.constant 0 : index
    %get3A_3 = vector.load %arg1[%get3A, %get3A_2] : memref<2048x64xf32, #tpu.memory_space<vmem>>, vector<2048x64xf32>
    %reduce_sum3A = arith.constant dense<0.000000e+00> : vector<64xf32>
    %reduce_sum3A_4 = vector.multi_reduction <add>, %get3A_3, %reduce_sum3A [0] : vector<2048x64xf32> to vector<64xf32>
    %mul3A = arith.mulf %get3A_3, %get3A_3 : vector<2048x64xf32>
    %reduce_sum3A_5 = arith.constant dense<0.000000e+00> : vector<64xf32>
    %reduce_sum3A_6 = vector.multi_reduction <add>, %mul3A, %reduce_sum3A_5 [0] : vector<2048x64xf32> to vector<64xf32>
    %stack3A = vector.shape_cast %reduce_sum3A_4 : vector<64xf32> to vector<1x64xf32>
    %stack3A_7 = vector.shape_cast %reduce_sum3A_6 : vector<64xf32> to vector<1x64xf32>
    %stack3A_8 = tpu.concatenate %stack3A, %stack3A_7 in 0 : vector<1x64xf32>, vector<1x64xf32> -> vector<2x64xf32>
    %get3A_9 = arith.constant 0 : index
    %get3A_10 = arith.constant 0 : index
    %get3A_11 = vector.load %arg5[%get3A_9, %get3A_10] : memref<2x256xf32, #tpu.memory_space<vmem>>, vector<2x64xf32>
    %add3A = arith.addf %get3A_11, %stack3A_8 : vector<2x64xf32>
    %swap3A = arith.constant 0 : index
    %swap3A_12 = arith.constant 0 : index
    %swap3A_13 = vector.load %arg5[%swap3A, %swap3A_12] : memref<2x256xf32, #tpu.memory_space<vmem>>, vector<2x64xf32>
    tpu.vector_store %arg5[%swap3A, %swap3A_12], %add3A {strides = array<i32>} : memref<2x256xf32, #tpu.memory_space<vmem>>, vector<2x64xf32>,
    %get3A_14 = arith.constant 0 : index
    %get3A_15 = arith.constant 0 : index
    %get3A_16 = vector.load %arg2[%get3A_14, %get3A_15] : memref<2048x64xf32, #tpu.memory_space<vmem>>, vector<2048x64xf32>
    %reduce_sum3A_17 = arith.constant dense<0.000000e+00> : vector<64xf32>
    %reduce_sum3A_18 = vector.multi_reduction <add>, %get3A_16, %reduce_sum3A_17 [0] : vector<2048x64xf32> to vector<64xf32>
    %mul3A_19 = arith.mulf %get3A_16, %get3A_16 : vector<2048x64xf32>
    %reduce_sum3A_20 = arith.constant dense<0.000000e+00> : vector<64xf32>
    %reduce_sum3A_21 = vector.multi_reduction <add>, %mul3A_19, %reduce_sum3A_20 [0] : vector<2048x64xf32> to vector<64xf32>
    %stack3A_22 = vector.shape_cast %reduce_sum3A_18 : vector<64xf32> to vector<1x64xf32>
    %stack3A_23 = vector.shape_cast %reduce_sum3A_21 : vector<64xf32> to vector<1x64xf32>
    %stack3A_24 = tpu.concatenate %stack3A_22, %stack3A_23 in 0 : vector<1x64xf32>, vector<1x64xf32> -> vector<2x64xf32>
    %get3A_25 = arith.constant 0 : index
    %get3A_26 = arith.constant 64 : index
    %get3A_27 = vector.load %arg5[%get3A_25, %get3A_26] : memref<2x256xf32, #tpu.memory_space<vmem>>, vector<2x64xf32>
    %add3A_28 = arith.addf %get3A_27, %stack3A_24 : vector<2x64xf32>
    %swap3A_29 = arith.constant 0 : index
    %swap3A_30 = arith.constant 64 : index
    %swap3A_31 = vector.load %arg5[%swap3A_29, %swap3A_30] : memref<2x256xf32, #tpu.memory_space<vmem>>, vector<2x64xf32>
    tpu.vector_store %arg5[%swap3A_29, %swap3A_30], %add3A_28 {strides = array<i32>} : memref<2x256xf32, #tpu.memory_space<vmem>>, vector<2x64xf32>,
    %get3A_32 = arith.constant 0 : index
    %get3A_33 = arith.constant 0 : index
    %get3A_34 = vector.load %arg3[%get3A_32, %get3A_33] : memref<2048x64xf32, #tpu.memory_space<vmem>>, vector<2048x64xf32>
    %reduce_sum3A_35 = arith.constant dense<0.000000e+00> : vector<64xf32>
    %reduce_sum3A_36 = vector.multi_reduction <add>, %get3A_34, %reduce_sum3A_35 [0] : vector<2048x64xf32> to vector<64xf32>
    %mul3A_37 = arith.mulf %get3A_34, %get3A_34 : vector<2048x64xf32>
    %reduce_sum3A_38 = arith.constant dense<0.000000e+00> : vector<64xf32>
    %reduce_sum3A_39 = vector.multi_reduction <add>, %mul3A_37, %reduce_sum3A_38 [0] : vector<2048x64xf32> to vector<64xf32>
    %stack3A_40 = vector.shape_cast %reduce_sum3A_36 : vector<64xf32> to vector<1x64xf32>
    %stack3A_41 = vector.shape_cast %reduce_sum3A_39 : vector<64xf32> to vector<1x64xf32>
    %stack3A_42 = tpu.concatenate %stack3A_40, %stack3A_41 in 0 : vector<1x64xf32>, vector<1x64xf32> -> vector<2x64xf32>
    %get3A_43 = arith.constant 0 : index
    %get3A_44 = arith.constant 128 : index
    %get3A_45 = vector.load %arg5[%get3A_43, %get3A_44] : memref<2x256xf32, #tpu.memory_space<vmem>>, vector<2x64xf32>
    %add3A_46 = arith.addf %get3A_45, %stack3A_42 : vector<2x64xf32>
    %swap3A_47 = arith.constant 0 : index
    %swap3A_48 = arith.constant 128 : index
    %swap3A_49 = vector.load %arg5[%swap3A_47, %swap3A_48] : memref<2x256xf32, #tpu.memory_space<vmem>>, vector<2x64xf32>
    tpu.vector_store %arg5[%swap3A_47, %swap3A_48], %add3A_46 {strides = array<i32>} : memref<2x256xf32, #tpu.memory_space<vmem>>, vector<2x64xf32>,
    %get3A_50 = arith.constant 0 : index
    %get3A_51 = arith.constant 0 : index
    %get3A_52 = vector.load %arg4[%get3A_50, %get3A_51] : memref<2048x64xf32, #tpu.memory_space<vmem>>, vector<2048x64xf32>
    %reduce_sum3A_53 = arith.constant dense<0.000000e+00> : vector<64xf32>
    %reduce_sum3A_54 = vector.multi_reduction <add>, %get3A_52, %reduce_sum3A_53 [0] : vector<2048x64xf32> to vector<64xf32>
    %mul3A_55 = arith.mulf %get3A_52, %get3A_52 : vector<2048x64xf32>
    %reduce_sum3A_56 = arith.constant dense<0.000000e+00> : vector<64xf32>
    %reduce_sum3A_57 = vector.multi_reduction <add>, %mul3A_55, %reduce_sum3A_56 [0] : vector<2048x64xf32> to vector<64xf32>
    %stack3A_58 = vector.shape_cast %reduce_sum3A_54 : vector<64xf32> to vector<1x64xf32>
    %stack3A_59 = vector.shape_cast %reduce_sum3A_57 : vector<64xf32> to vector<1x64xf32>
    %stack3A_60 = tpu.concatenate %stack3A_58, %stack3A_59 in 0 : vector<1x64xf32>, vector<1x64xf32> -> vector<2x64xf32>
    %get3A_61 = arith.constant 0 : index
    %get3A_62 = arith.constant 192 : index
    %get3A_63 = vector.load %arg5[%get3A_61, %get3A_62] : memref<2x256xf32, #tpu.memory_space<vmem>>, vector<2x64xf32>
    %add3A_64 = arith.addf %get3A_63, %stack3A_60 : vector<2x64xf32>
    %swap3A_65 = arith.constant 0 : index
    %swap3A_66 = arith.constant 192 : index
    %swap3A_67 = vector.load %arg5[%swap3A_65, %swap3A_66] : memref<2x256xf32, #tpu.memory_space<vmem>>, vector<2x64xf32>
    tpu.vector_store %arg5[%swap3A_65, %swap3A_66], %add3A_64 {strides = array<i32>} : memref<2x256xf32, #tpu.memory_space<vmem>>, vector<2x64xf32>,
    return
  }
  func.func @transform_0(%arg0: i32) -> (i32, i32) {
    %c0_i32 = arith.constant 0 : i32
    %c0_i32_0 = arith.constant 0 : i32
    return %arg0, %c0_i32 : i32, i32
  }
  func.func @transform_1(%arg0: i32) -> (i32, i32) {
    %c0_i32 = arith.constant 0 : i32
    %c0_i32_0 = arith.constant 0 : i32
    return %arg0, %c0_i32 : i32, i32
  }
  func.func @transform_2(%arg0: i32) -> (i32, i32) {
    %c0_i32 = arith.constant 0 : i32
    %c0_i32_0 = arith.constant 0 : i32
    return %arg0, %c0_i32 : i32, i32
  }
  func.func @transform_3(%arg0: i32) -> (i32, i32) {
    %c0_i32 = arith.constant 0 : i32
    %c0_i32_0 = arith.constant 0 : i32
    return %arg0, %c0_i32 : i32, i32
  }
  func.func @transform_4(%arg0: i32) -> (i32, i32) {
    %c0_i32 = arith.constant 0 : i32
    %c0_i32_0 = arith.constant 0 : i32
    %c0_i32_1 = arith.constant 0 : i32
    return %c0_i32, %c0_i32_0 : i32, i32
  }
}

module attributes {stable_mosaic.version = 14 : i64} {
  func.func @_tc_apply_body(%arg0: i32, %arg1: memref<2x256xf32, #tpu.memory_space<vmem>>, %arg2: memref<2048x64xf32, #tpu.memory_space<vmem>>, %arg3: memref<2048x64xf32, #tpu.memory_space<vmem>>, %arg4: memref<2048x64xf32, #tpu.memory_space<vmem>>, %arg5: memref<2048x64xf32, #tpu.memory_space<vmem>>, %arg6: memref<1x256xf32, #tpu.memory_space<vmem>>, %arg7: memref<1x256xf32, #tpu.memory_space<vmem>>, %arg8: memref<192xf32, #tpu.memory_space<vmem>>, %arg9: memref<192x256xf32, #tpu.memory_space<vmem>>, %arg10: memref<192xf32, #tpu.memory_space<vmem>>, %arg11: memref<2048x192xf32, #tpu.memory_space<vmem>>) attributes {dimension_semantics = [#tpu.dimension_semantics<arbitrary>], iteration_bounds = array<i64: 8>, scalar_prefetch = 0 : i64, scratch_operands = 0 : i64, tpu.core_type = #tpu.core_type<tc>, window_params = [{pipeline_mode = #tpu.pipeline_mode<synchronous>, transform_indices = @transform_0, window_bounds = array<i64: 2, 256>}, {transform_indices = @transform_1, window_bounds = array<i64: 2048, 64>}, {transform_indices = @transform_2, window_bounds = array<i64: 2048, 64>}, {transform_indices = @transform_3, window_bounds = array<i64: 2048, 64>}, {transform_indices = @transform_4, window_bounds = array<i64: 2048, 64>}, {pipeline_mode = #tpu.pipeline_mode<synchronous>, transform_indices = @transform_5, window_bounds = array<i64: 1, 256>}, {pipeline_mode = #tpu.pipeline_mode<synchronous>, transform_indices = @transform_6, window_bounds = array<i64: 1, 256>}, {pipeline_mode = #tpu.pipeline_mode<synchronous>, transform_indices = @transform_7, window_bounds = array<i64: 192>}, {pipeline_mode = #tpu.pipeline_mode<synchronous>, transform_indices = @transform_8, window_bounds = array<i64: 192, 256>}, {pipeline_mode = #tpu.pipeline_mode<synchronous>, transform_indices = @transform_9, window_bounds = array<i64: 192>}, {transform_indices = @transform_10, window_bounds = array<i64: 2048, 192>}]} {
    %get3A = arith.constant 0 : index
    %get3A_0 = arith.constant 0 : index
    %get3A_1 = vector.load %arg1[%get3A, %get3A_0] : memref<2x256xf32, #tpu.memory_space<vmem>>, vector<1x256xf32>
    %get3A_2 = vector.shape_cast %get3A_1 : vector<1x256xf32> to vector<256xf32>
    %mul3A = arith.constant 6.10351563E-5 : f32
    %mul3A_3 = vector.broadcast %mul3A : f32 to vector<256xf32>
    %mul3A_4 = arith.mulf %get3A_2, %mul3A_3 : vector<256xf32>
    %get3A_5 = arith.constant 1 : index
    %get3A_6 = arith.constant 0 : index
    %get3A_7 = vector.load %arg1[%get3A_5, %get3A_6] : memref<2x256xf32, #tpu.memory_space<vmem>>, vector<1x256xf32>
    %get3A_8 = vector.shape_cast %get3A_7 : vector<1x256xf32> to vector<256xf32>
    %mul3A_9 = arith.constant 6.10351563E-5 : f32
    %mul3A_10 = vector.broadcast %mul3A_9 : f32 to vector<256xf32>
    %mul3A_11 = arith.mulf %get3A_8, %mul3A_10 : vector<256xf32>
    %mul3A_12 = arith.mulf %mul3A_4, %mul3A_4 : vector<256xf32>
    %sub3A = arith.subf %mul3A_11, %mul3A_12 : vector<256xf32>
    %get3A_13 = arith.constant 0 : index
    %get3A_14 = arith.constant 0 : index
    %get3A_15 = vector.load %arg6[%get3A_13, %get3A_14] : memref<1x256xf32, #tpu.memory_space<vmem>>, vector<1x256xf32>
    %get3A_16 = vector.shape_cast %get3A_15 : vector<1x256xf32> to vector<256xf32>
    %add3A = arith.constant 9.99999974E-6 : f32
    %add3A_17 = vector.broadcast %add3A : f32 to vector<256xf32>
    %add3A_18 = arith.addf %sub3A, %add3A_17 : vector<256xf32>
    %rsqrt3A = math.rsqrt %add3A_18 : vector<256xf32>
    %mul3A_19 = arith.mulf %get3A_16, %rsqrt3A : vector<256xf32>
    %get3A_20 = arith.constant 0 : index
    %get3A_21 = arith.constant 0 : index
    %get3A_22 = vector.load %arg7[%get3A_20, %get3A_21] : memref<1x256xf32, #tpu.memory_space<vmem>>, vector<1x256xf32>
    %get3A_23 = vector.shape_cast %get3A_22 : vector<1x256xf32> to vector<256xf32>
    %mul3A_24 = arith.mulf %mul3A_4, %mul3A_19 : vector<256xf32>
    %sub3A_25 = arith.subf %get3A_23, %mul3A_24 : vector<256xf32>
    %get3A_26 = arith.constant 0 : index
    %get3A_27 = arith.constant 0 : index
    %get3A_28 = vector.load %arg9[%get3A_26, %get3A_27] : memref<192x256xf32, #tpu.memory_space<vmem>>, vector<192x256xf32>
    %get3A_29 = arith.constant 0 : index
    %get3A_30 = vector.load %arg8[%get3A_29] : memref<192xf32, #tpu.memory_space<vmem>>, vector<192xf32>
    %mul3A_31 = arith.mulf %get3A_28, %get3A_28 : vector<192x256xf32>
    %reduce_sum3A = arith.constant dense<0.000000e+00> : vector<192xf32>
    %reduce_sum3A_32 = vector.multi_reduction <add>, %mul3A_31, %reduce_sum3A [1] : vector<192x256xf32> to vector<192xf32>
    %rsqrt3A_33 = math.rsqrt %reduce_sum3A_32 : vector<192xf32>
    %mul3A_34 = arith.mulf %get3A_30, %rsqrt3A_33 : vector<192xf32>
    %broadcast_in_dim3A = vector.shape_cast %mul3A_34 : vector<192xf32> to vector<192x1xf32>
    %mul3A_35 = vector.broadcast %broadcast_in_dim3A : vector<192x1xf32> to vector<192x256xf32>
    %mul3A_36 = arith.mulf %get3A_28, %mul3A_35 : vector<192x256xf32>
    %get3A_37 = arith.constant 0 : index
    %get3A_38 = vector.load %arg10[%get3A_37] : memref<192xf32, #tpu.memory_space<vmem>>, vector<192xf32>
    %broadcast_in_dim3A_39 = vector.shape_cast %sub3A_25 : vector<256xf32> to vector<1x256xf32>
    %mul3A_40 = vector.broadcast %broadcast_in_dim3A_39 : vector<1x256xf32> to vector<192x256xf32>
    %mul3A_41 = arith.mulf %mul3A_36, %mul3A_40 : vector<192x256xf32>
    %reduce_sum3A_42 = arith.constant dense<0.000000e+00> : vector<192xf32>
    %reduce_sum3A_43 = vector.multi_reduction <add>, %mul3A_41, %reduce_sum3A_42 [1] : vector<192x256xf32> to vector<192xf32>
    %add3A_44 = arith.addf %get3A_38, %reduce_sum3A_43 : vector<192xf32>
    %broadcast_in_dim3A_45 = arith.constant 0.000000e+00 : f32
    %broadcast_in_dim3A_46 = vector.broadcast %broadcast_in_dim3A_45 : f32 to vector<2048x192xf32>
    %slice3A = vector.extract_strided_slice %mul3A_36 {offsets = [0, 0], sizes = [192, 64], strides = [1, 1]} : vector<192x256xf32> to vector<192x64xf32>
    %slice3A_47 = vector.extract_strided_slice %mul3A_19 {offsets = [0], sizes = [64], strides = [1]} : vector<256xf32> to vector<64xf32>
    %broadcast_in_dim3A_48 = vector.shape_cast %slice3A_47 : vector<64xf32> to vector<1x64xf32>
    %mul3A_49 = vector.broadcast %broadcast_in_dim3A_48 : vector<1x64xf32> to vector<192x64xf32>
    %mul3A_50 = arith.mulf %slice3A, %mul3A_49 : vector<192x64xf32>
    %get3A_51 = arith.constant 0 : index
    %get3A_52 = arith.constant 0 : index
    %get3A_53 = vector.load %arg2[%get3A_51, %get3A_52] : memref<2048x64xf32, #tpu.memory_space<vmem>>, vector<2048x64xf32>
    %dot_general3A = arith.constant dense<0.000000e+00> : vector<2048x192xf32>
    %dot_general3A_54 = tpu.matmul %get3A_53, %mul3A_50, %dot_general3A {dimension_numbers = #tpu.dot_dimension_numbers<[1], [1], [0], [0], [0, 0, 1, 0], [], []>, transpose_lhs_hint = false} : vector<2048x64xf32>, vector<192x64xf32>, vector<2048x192xf32> -> vector<2048x192xf32>
    %add3A_55 = arith.addf %broadcast_in_dim3A_46, %dot_general3A_54 : vector<2048x192xf32>
    %slice3A_56 = vector.extract_strided_slice %mul3A_36 {offsets = [0, 64], sizes = [192, 64], strides = [1, 1]} : vector<192x256xf32> to vector<192x64xf32>
    %slice3A_57 = vector.extract_strided_slice %mul3A_19 {offsets = [64], sizes = [64], strides = [1]} : vector<256xf32> to vector<64xf32>
    %broadcast_in_dim3A_58 = vector.shape_cast %slice3A_57 : vector<64xf32> to vector<1x64xf32>
    %mul3A_59 = vector.broadcast %broadcast_in_dim3A_58 : vector<1x64xf32> to vector<192x64xf32>
    %mul3A_60 = arith.mulf %slice3A_56, %mul3A_59 : vector<192x64xf32>
    %get3A_61 = arith.constant 0 : index
    %get3A_62 = arith.constant 0 : index
    %get3A_63 = vector.load %arg3[%get3A_61, %get3A_62] : memref<2048x64xf32, #tpu.memory_space<vmem>>, vector<2048x64xf32>
    %dot_general3A_64 = arith.constant dense<0.000000e+00> : vector<2048x192xf32>
    %dot_general3A_65 = tpu.matmul %get3A_63, %mul3A_60, %dot_general3A_64 {dimension_numbers = #tpu.dot_dimension_numbers<[1], [1], [0], [0], [0, 0, 1, 0], [], []>, transpose_lhs_hint = false} : vector<2048x64xf32>, vector<192x64xf32>, vector<2048x192xf32> -> vector<2048x192xf32>
    %add3A_66 = arith.addf %add3A_55, %dot_general3A_65 : vector<2048x192xf32>
    %slice3A_67 = vector.extract_strided_slice %mul3A_36 {offsets = [0, 128], sizes = [192, 64], strides = [1, 1]} : vector<192x256xf32> to vector<192x64xf32>
    %slice3A_68 = vector.extract_strided_slice %mul3A_19 {offsets = [128], sizes = [64], strides = [1]} : vector<256xf32> to vector<64xf32>
    %broadcast_in_dim3A_69 = vector.shape_cast %slice3A_68 : vector<64xf32> to vector<1x64xf32>
    %mul3A_70 = vector.broadcast %broadcast_in_dim3A_69 : vector<1x64xf32> to vector<192x64xf32>
    %mul3A_71 = arith.mulf %slice3A_67, %mul3A_70 : vector<192x64xf32>
    %get3A_72 = arith.constant 0 : index
    %get3A_73 = arith.constant 0 : index
    %get3A_74 = vector.load %arg4[%get3A_72, %get3A_73] : memref<2048x64xf32, #tpu.memory_space<vmem>>, vector<2048x64xf32>
    %dot_general3A_75 = arith.constant dense<0.000000e+00> : vector<2048x192xf32>
    %dot_general3A_76 = tpu.matmul %get3A_74, %mul3A_71, %dot_general3A_75 {dimension_numbers = #tpu.dot_dimension_numbers<[1], [1], [0], [0], [0, 0, 1, 0], [], []>, transpose_lhs_hint = false} : vector<2048x64xf32>, vector<192x64xf32>, vector<2048x192xf32> -> vector<2048x192xf32>
    %add3A_77 = arith.addf %add3A_66, %dot_general3A_76 : vector<2048x192xf32>
    %slice3A_78 = vector.extract_strided_slice %mul3A_36 {offsets = [0, 192], sizes = [192, 64], strides = [1, 1]} : vector<192x256xf32> to vector<192x64xf32>
    %slice3A_79 = vector.extract_strided_slice %mul3A_19 {offsets = [192], sizes = [64], strides = [1]} : vector<256xf32> to vector<64xf32>
    %broadcast_in_dim3A_80 = vector.shape_cast %slice3A_79 : vector<64xf32> to vector<1x64xf32>
    %mul3A_81 = vector.broadcast %broadcast_in_dim3A_80 : vector<1x64xf32> to vector<192x64xf32>
    %mul3A_82 = arith.mulf %slice3A_78, %mul3A_81 : vector<192x64xf32>
    %get3A_83 = arith.constant 0 : index
    %get3A_84 = arith.constant 0 : index
    %get3A_85 = vector.load %arg5[%get3A_83, %get3A_84] : memref<2048x64xf32, #tpu.memory_space<vmem>>, vector<2048x64xf32>
    %dot_general3A_86 = arith.constant dense<0.000000e+00> : vector<2048x192xf32>
    %dot_general3A_87 = tpu.matmul %get3A_85, %mul3A_82, %dot_general3A_86 {dimension_numbers = #tpu.dot_dimension_numbers<[1], [1], [0], [0], [0, 0, 1, 0], [], []>, transpose_lhs_hint = false} : vector<2048x64xf32>, vector<192x64xf32>, vector<2048x192xf32> -> vector<2048x192xf32>
    %add3A_88 = arith.addf %add3A_77, %dot_general3A_87 : vector<2048x192xf32>
    %broadcast_in_dim3A_89 = vector.shape_cast %add3A_44 : vector<192xf32> to vector<1x192xf32>
    %add3A_90 = vector.broadcast %broadcast_in_dim3A_89 : vector<1x192xf32> to vector<2048x192xf32>
    %add3A_91 = arith.addf %add3A_88, %add3A_90 : vector<2048x192xf32>
    %logistic3A = arith.negf %add3A_91 : vector<2048x192xf32>
    %logistic3A_92 = math.exp %logistic3A : vector<2048x192xf32>
    %logistic3A_93 = arith.constant 1.000000e+00 : f32
    %logistic3A_94 = vector.broadcast %logistic3A_93 : f32 to vector<2048x192xf32>
    %logistic3A_95 = arith.addf %logistic3A_94, %logistic3A_92 : vector<2048x192xf32>
    %logistic3A_96 = arith.divf %logistic3A_94, %logistic3A_95 : vector<2048x192xf32>
    %swap3A = arith.constant 0 : index
    %swap3A_97 = arith.constant 0 : index
    %swap3A_98 = vector.load %arg11[%swap3A, %swap3A_97] : memref<2048x192xf32, #tpu.memory_space<vmem>>, vector<2048x192xf32>
    tpu.vector_store %arg11[%swap3A, %swap3A_97], %logistic3A_96 {strides = array<i32>} : memref<2048x192xf32, #tpu.memory_space<vmem>>, vector<2048x192xf32>,
    return
  }
  func.func @transform_0(%arg0: i32) -> (i32, i32) {
    %c0_i32 = arith.constant 0 : i32
    %c0_i32_0 = arith.constant 0 : i32
    %c0_i32_1 = arith.constant 0 : i32
    return %c0_i32, %c0_i32_0 : i32, i32
  }
  func.func @transform_1(%arg0: i32) -> (i32, i32) {
    %c0_i32 = arith.constant 0 : i32
    %c0_i32_0 = arith.constant 0 : i32
    return %arg0, %c0_i32 : i32, i32
  }
  func.func @transform_2(%arg0: i32) -> (i32, i32) {
    %c0_i32 = arith.constant 0 : i32
    %c0_i32_0 = arith.constant 0 : i32
    return %arg0, %c0_i32 : i32, i32
  }
  func.func @transform_3(%arg0: i32) -> (i32, i32) {
    %c0_i32 = arith.constant 0 : i32
    %c0_i32_0 = arith.constant 0 : i32
    return %arg0, %c0_i32 : i32, i32
  }
  func.func @transform_4(%arg0: i32) -> (i32, i32) {
    %c0_i32 = arith.constant 0 : i32
    %c0_i32_0 = arith.constant 0 : i32
    return %arg0, %c0_i32 : i32, i32
  }
  func.func @transform_5(%arg0: i32) -> (i32, i32) {
    %c0_i32 = arith.constant 0 : i32
    %c0_i32_0 = arith.constant 0 : i32
    %c0_i32_1 = arith.constant 0 : i32
    return %c0_i32, %c0_i32_0 : i32, i32
  }
  func.func @transform_6(%arg0: i32) -> (i32, i32) {
    %c0_i32 = arith.constant 0 : i32
    %c0_i32_0 = arith.constant 0 : i32
    %c0_i32_1 = arith.constant 0 : i32
    return %c0_i32, %c0_i32_0 : i32, i32
  }
  func.func @transform_7(%arg0: i32) -> i32 {
    %c0_i32 = arith.constant 0 : i32
    %c0_i32_0 = arith.constant 0 : i32
    return %c0_i32 : i32
  }
  func.func @transform_8(%arg0: i32) -> (i32, i32) {
    %c0_i32 = arith.constant 0 : i32
    %c0_i32_0 = arith.constant 0 : i32
    %c0_i32_1 = arith.constant 0 : i32
    return %c0_i32, %c0_i32_0 : i32, i32
  }
  func.func @transform_9(%arg0: i32) -> i32 {
    %c0_i32 = arith.constant 0 : i32
    %c0_i32_0 = arith.constant 0 : i32
    return %c0_i32 : i32
  }
  func.func @transform_10(%arg0: i32) -> (i32, i32) {
    %c0_i32 = arith.constant 0 : i32
    %c0_i32_0 = arith.constant 0 : i32
    return %arg0, %c0_i32 : i32, i32
  }
}

</mosaic_0001>

<sc_bundles>
// kernel: kernel.6.cloned.1.call-start
scs
__scs_entry_jumppad:
0x0: {  	(pc) =	sbr.rel $0x88, $3  }
0x1: {  	(tag) =	ssettag $0x0;
	lr =	simm.s32 $0x1  }
0x2: {  	[smem:$0x3F94] =	sst lr;
	_ =	strace $0xD0000000  }
0x3: {  	_ = 	snop  }
0x4: {  	_ = 	snop  }
0x5: {  	_ = 	snop  }
0x6: {  	_ = 	snop  }
0x7: {  	_ = 	snop  }
__scs_overlays_trampoline_lowered:
0x8: {  	[smem:$0x3FA3] =	sst s0  }
0x9: {  	[smem:$0x3FA4] =	sst s1  }
0xa: {  	[smem:$0x3FA5] =	sst s2  }
0xb: {  	[smem:$0x3FA6] =	sst s3  }
0xc: {  	[smem:$0x3FA7] =	sst s4  }
0xd: {  	[smem:$0x3FA8] =	sst s5  }
0xe: {  	[smem:$0x3FA9] =	sst s6  }
0xf: {  	[smem:$0x3FAA] =	sst s7  }
0x10: {  	[smem:$0x3FAB] =	sst s8  }
0x11: {  	[smem:$0x3FAC] =	sst s9;
	s0 =	simm.s32 @!p0 $0x0  }
0x12: {  	s1 =	sld [smem:$0x3F92];
	s0 =	simm.s32 @p0 $0x1  }
0x13: {  	[smem:$0x3FAD] =	sst s0;
	s0 =	simm.s32 @!p1 $0x0  }
0x14: {  	s2 =	sld [smem:$0x3F91];
	s0 =	simm.s32 @p1 $0x1  }
0x15: {  	[smem:$0x3FAE] =	sst s0;
	s0 =	simm.s32 @!p2 $0x0  }
0x16: {  	s3 =	sld [smem:$0x3FDB];
	s0 =	simm.s32 @p2 $0x1  }
0x17: {  	s4 =	simm.s32 $0x1BF5;
	[smem:$0x3FB0] =	sst s0  }
0x18: {  	s0 =	sld [smem:$0x3F93];
	_ =	swait.ge [sflag:s4], $0x0  }
0x19: {  	s7 =	sld [smem:$0x3F94]  }
0x1a: {  	s8 =	sadd.s32 $0xFFFFE003, lr  }
0x1b: {  	s9 =	sadd.s32 $0xFFFFFEF7, lr;
	s5 =	simm.s32 $0xFFFFFFFF;
	p2 =	slt.u32 s8, $0xFFFFF086  }
0x1c: {  	p1 =	slt.u32 s9, $0xF7A;
	s5 =	simm.s32 @!p2 $0x0  }
0x1d: {  	s5 =	simm.s32 @p1 $0x1;
	p0 =	seq.s32 s7, s2  }
0x1e: {  	s7 =	smul.u32 @!p0 $0xF7A, s2;
	p2 =	seq.s32 @!p0 s5, $0x0  }
0x1f: {  	s9 =	smul.u32 $0xF7A, s1;
	s8 =	simm.s32 @!p0 $0x1BF5;
	p2 =	por !p2, p0  }
0x20: {  	[sflag:s8] =	ssyncset.s32 @!p0 $0xFFFFF086;
	s6 =	sadd.s32 @!p0 s3, s7;
	s7 =	simm.s32 @!p0 $0x108  }
0x21: {  	s3 =	sadd.s32 s3, s9;
	s6 =	sadd.s32 @!p0 $0x88, s6;
	s7 =	simm.s32 @p2 $0x1082  }
0x22: {  	[simem:s7], [sflag:s8] =	dma.local @!p0 [hbm:s6], $0xF7A  }
0x23: {  	s9 =	sor.u32 $0xD0000000, s2;
	s6 =	simm.s32 $0x108;
	_ =	swait.ge @!p0 [sflag:s8], $0x0  }
0x24: {  	s3 =	sadd.s32 $0x88, s3;
	s6 =	simm.s32 @!p1 $0x1082;
	[sflag:s4] =	ssyncset.s32 $0xFFFFF086  }
0x25: {  	[simem:s6], [sflag:s4] =	dma.local [hbm:s3], $0xF7A  }
0x26: {  	[smem:$0x3F94] =	sst s1;
	(tag) =	ssettag s2;
	_ =	strace s9  }
0x27: {  	s1 =	sld [smem:$0x3FA4]  }
0x28: {  	s2 =	sld [smem:$0x3FA5]  }
0x29: {  	s4 =	sld [smem:$0x3FA7]  }
0x2a: {  	p0 =	seq.s32 s5, $0x0;
	s5 =	sld [smem:$0x3FA8]  }
0x2b: {  	s6 =	sld [smem:$0x3FA9]  }
0x2c: {  	s7 =	sld [smem:$0x3FAA]  }
0x2d: {  	s3 =	simm.s32 $0x108;
	s8 =	sld [smem:$0x3FAB]  }
0x2e: {  	s3 =	simm.s32 @!p0 $0x1082;
	s9 =	sld [smem:$0x3FAC]  }
0x2f: {  	lr =	sadd.s32 s0, s3;
	s0 =	sld [smem:$0x3FA3]  }
0x30: {  	s3 =	sld [smem:$0x3FA6]  }
0x31: {  	[smem:$0x3FAF] =	sst s10  }
0x32: {  	s10 =	sld [smem:$0x3FAD];
	_ =	sdelay $0x3  }
0x33: {  	p0 =	seq.s32 s10, $0x1;
	s10 =	sld [smem:$0x3FAF];
	_ =	sdelay $0x3  }
0x34: {  	[smem:$0x3FAF] =	sst s10  }
0x35: {  	s10 =	sld [smem:$0x3FAE];
	_ =	sdelay $0x3  }
0x36: {  	p1 =	seq.s32 s10, $0x1;
	s10 =	sld [smem:$0x3FAF];
	_ =	sdelay $0x3  }
0x37: {  	[smem:$0x3FAF] =	sst s10  }
0x38: {  	s10 =	sld [smem:$0x3FB0]  }
0x39: {  	_ = 	snop;
	(pc) =	sbr.ind lr, $3  }
0x3a: {  	_ = 	snop  }
0x3b: {  	_ = 	snop  }
0x3c: {  	p2 =	seq.s32 s10, $0x1;
	s10 =	sld [smem:$0x3FAF]  }
0x3d: {  	_ =	shalt  }
0x3e: {  	_ =	shalt  }
0x3f: {  	_ =	shalt  }
0x40: {  	_ =	shalt  }
0x41: {  	_ =	shalt  }
0x42: {  	_ =	shalt  }
0x43: {  	_ =	shalt  }
0x44: {  	_ =	shalt  }
0x45: {  	_ =	shalt  }
0x46: {  	_ =	shalt  }
0x47: {  	_ =	shalt  }
0x48: {  	_ =	shalt  }
0x49: {  	_ =	shalt  }
0x4a: {  	_ =	shalt  }
0x4b: {  	_ =	shalt  }
0x4c: {  	_ =	shalt  }
0x4d: {  	_ =	shalt  }
0x4e: {  	_ =	shalt  }
0x4f: {  	_ =	shalt  }
0x50: {  	_ =	shalt  }
0x51: {  	_ =	shalt  }
0x52: {  	_ =	shalt  }
0x53: {  	_ =	shalt  }
0x54: {  	_ =	shalt  }
0x55: {  	_ =	shalt  }
0x56: {  	_ =	shalt  }
0x57: {  	_ =	shalt  }
0x58: {  	_ =	shalt  }
0x59: {  	_ =	shalt  }
0x5a: {  	_ =	shalt  }
0x5b: {  	_ =	shalt  }
0x5c: {  	_ =	shalt  }
0x5d: {  	_ =	shalt  }
0x5e: {  	_ =	shalt  }
0x5f: {  	_ =	shalt  }
0x60: {  	_ =	shalt  }
0x61: {  	_ =	shalt  }
0x62: {  	_ =	shalt  }
0x63: {  	_ =	shalt  }
0x64: {  	_ =	shalt  }
0x65: {  	_ =	shalt  }
0x66: {  	_ =	shalt  }
0x67: {  	_ =	shalt  }
0x68: {  	_ =	shalt  }
0x69: {  	_ =	shalt  }
0x6a: {  	_ =	shalt  }
0x6b: {  	_ =	shalt  }
0x6c: {  	_ =	shalt  }
0x6d: {  	_ =	shalt  }
0x6e: {  	_ =	shalt  }
0x6f: {  	_ =	shalt  }
0x70: {  	_ =	shalt  }
0x71: {  	_ =	shalt  }
0x72: {  	_ =	shalt  }
0x73: {  	_ =	shalt  }
0x74: {  	_ =	shalt  }
0x75: {  	_ =	shalt  }
0x76: {  	_ =	shalt  }
0x77: {  	_ =	shalt  }
0x78: {  	_ =	shalt  }
0x79: {  	_ =	shalt  }
0x7a: {  	_ =	shalt  }
0x7b: {  	_ =	shalt  }
0x7c: {  	_ =	shalt  }
0x7d: {  	_ =	shalt  }
0x7e: {  	_ =	shalt  }
0x7f: {  	_ =	shalt  }
0x80: {  	_ =	shalt  }
0x81: {  	_ =	shalt  }
0x82: {  	_ =	shalt  }
0x83: {  	_ =	shalt  }
0x84: {  	_ =	shalt  }
0x85: {  	_ =	shalt  }
0x86: {  	_ =	shalt  }
0x87: {  	_ =	shalt  }
.Lfunc_end0:
.L_simem_size_0:
called_computation_lowered:
.L_overlay_start_0:
0x88: {  	s2 =	sld [smem:$0x3FD9]  }
0x89: {  	s3 =	sld [smem:$0x3FFE];
	_ =	sdelay $0x1  }
0x8a: {  	s1 =	srdreg.scid  }
0x8b: {  	s0 =	sand.u32 $0x1, s1  }
0x8c: {  	s17 =	sshll.u32 s0, $0xA;
	s2 =	sadd.s32 s3, s2  }
0x8d: {  	s2 =	sadd.s32 s2, s17  }
0x8e: {  	[smem:$0x3FBB] =	sst s2  }
0x8f: {  	_ = 	snop  }
0x90: {  	s2 =	sld [smem:$0x3FC9]  }
0x91: {  	s18 =	sld [smem:$0x3FC8];
	(tm) =	ssettm $0x1  }
0x92: {  	s4 =	sld [smem:$0x3FFB];
	_ =	sdelay $0x3  }
0x93: {  	_ =	strace s4  }
0x94: {  	s4 =	sld [smem:$0x3FFC];
	_ =	sdelay $0x3  }
0x95: {  	_ =	strace s4  }
0x96: {  	s4 =	sld [smem:$0x3FFD];
	_ =	sdelay $0x3  }
0x97: {  	_ =	strace s4  }
0x98: {  	_ =	strace $0x8FFFFFFF  }
0x99: {  	s19 =	sld [smem:$0x3FDB];
	_ =	sdelay $0x1  }
0x9a: {  	s5 =	simm.s32 $_scs_section_size  }
0x9b: {  	s6 =	simm.s32 $_size__tile_overlayer_lowered;
	s7 =	simm.s32 $_tile_overlayer_lowered  }
0x9c: {  	s22 =	simm.s32 $0x1BFF;
	s21 =	sshll.u32 s7, $0x1;
	s4 =	sadd.s32 s5, s19  }
0x9d: {  	s8 =	simm.s32 $0x0;
	s20 =	sshll.u32 s6, $0x1;
	s6 =	sadd.s32 s21, s4  }
0x9e: {  	[timem:s8], [sflag:s22] =	dma.local [hbm:s6], s20  }
0x9f: {  	_ =	swait.ge [sflag:s22], s20  }
0xa0: {  	s5 =	ssub.s32 $0x0, s20;
	[sflag:s22] =	ssyncset.done $0x0  }
0xa1: {  	[sflag:s22] =	ssyncadd.s32 s5;
	_ =	sdelay $0x1  }
0xa2: {  	s23 =	simm.s32 $0x1B8B  }
0xa3: {  	_ =	swait.ge [sflag:s23], $0x1  }
0xa4: {  	[sflag:s23] =	ssyncset.done $0x0  }
0xa5: {  	s25 =	simm.s32 $0x1B8E;
	s24 =	sld [smem:$0x3FFE];
	[sflag:s23] =	ssyncadd.s32 $0xFFFFFFFF  }
0xa6: {  	s26 =	simm.s32 $execute0_lowered;
	[smem:$0x3FD2] =	sst s25  }
0xa7: {  	s6 =	sshll.u32 s26, $0x1;
	_ =	strace $0x80000046;
	[dreg:$0x1] =	wrdreg $0xFFFFFFFF  }
0xa8: {  	s28 =	simm.s32 $_size_execute0_lowered;
	s4 =	sadd.s32 s4, s6;
	[dreg:$0x0] =	wrdreg $0x0  }
0xa9: {  	s6 =	sshll.u32 s28, $0x1;
	[dreg:$0x2] =	wrdreg s4  }
0xaa: {  	[dreg:$0x3] =	wrdreg s6  }
0xab: {  	[dreg:$0x4] =	wrdreg $0xC0  }
0xac: {  	_ =	task [dreg:s8], $0x5FFFF  }
0xad: {  	[dreg:$0x1] =	wrdreg $0xFFFFFFFF  }
0xae: {  	[dreg:$0x0] =	wrdreg $0x60  }
0xaf: {  	[dreg:$0x2] =	wrdreg s24  }
0xb0: {  	[dreg:$0x3] =	wrdreg s2  }
0xb1: {  	[dreg:$0x4] =	wrdreg s18  }
0xb2: {  	[dreg:$0x5] =	wrdreg $0x9  }
0xb3: {  	_ =	task.clear_ibuf [dreg:s8], $0x6FFFF;
	_ =	strace $0x90000046  }
0xb4: {  	s29 =	simm.s32 $0x9;
	_ =	strace $0x80000048  }
0xb5: {  	_ =	swait.ge [sflag:s29], $0x1  }
0xb6: {  	[sflag:s29] =	ssyncadd.s32 $0xFFFFFFFF  }
0xb7: {  	_ =	strace $0x90000048  }
0xb8: {  	_ =	sfence  }
0xb9: {  	s30 =	sld [smem:$0x0];
	_ =	sdelay $0x2  }
0xba: {  	s31 =	sshll.u32 s1, $0xD;
	s1 =	sshrl.u32 s1, $0x2  }
0xbb: {  	s3 =	sand.u32 $0x4000, s31;
	s1 =	sadd.s32 s1, s30  }
0xbc: {  	s0 =	sor.u32 s3, s0;
	s1 =	sshll.u32 s1, $0x11  }
0xbd: {  	s0 =	sor.u32 s1, s0  }
0xbe: {  	s0 =	sadd.s32 $0x8F2B, s0  }
0xbf: {  	[sflag:s0] =	ssyncadd.remote.s32 $0x1  }
0xc0: {  	_ =	sfence.sel $0xFFFF  }
0xc1: {  	[dreg:$0x0] =	wrdreg $0xFFFFFFFF;
	(pc) =	sbr.abs _section_cstart, $3  }
0xc2: {  	[dreg:$0x1] =	wrdreg $0xFFFFFFFF  }
0xc3: {  	_ =	task.clear_ibuf [dreg:s8], $0x2FFFF;
	_ =	strace $0x9FFFFFFF  }
0xc4: {  	(tm) =	ssettm $0x7FFFFFFF  }
0xc5: {  	_ =	shalt  }
tec
execute0_lowered:
.L_overlay_start_1:
0x0: {  	(tag) =	ssettag $0x1  }
0x1: {  	s19 =	rddreg [dreg:$0x0];
	s1 =	srdreg.scid  }
0x2: {  	s3 =	rddreg [dreg:$0x1];
	s0 =	stileid.u32;
	s22 =	sand.u32 $0x1, s1  }
0x3: {  	s17 =	rddreg [dreg:$0x2];
	s4 =	sshll.u32 s0, $0xA;
	s5 =	sshll.u32 s22, $0x9  }
0x4: {  	s2 =	simm.s32 $0x0;
	s1 =	rddreg [dreg:$0x3];
	s9 =	sor.u32 s5, s4  }
0x5: {  	[smem:$0x7FF] =	sst s2;
	s18 =	sshrl.u32 s9, $0x3  }
0x6: {  	_ =	strace $0x80000047;
	s4 =	sadd.s32 s3, s18;
	s3 =	simm.s32 $0x3  }
0x7: {  	[tilespmem:s2], [sflag:$0x3] =	stream.linear.gather [hbm4b:s4+s2], $0x200, $0x38;
	[tilespmem:$0x4200] =	vst v63  }
0x8: {  	_ =	swait.ge [sflag:s3], $0x200  }
0x9: {  	s6 =	simm.s32 $0x80;
	s7 =	simm.s32 $0x200;
	[sflag:s3] =	ssyncset.done $0x0  }
0xa: {  	s8 =	simm.s32 $0x1;
	s5 =	sadd.s32 $0x188A00, s19;
	[sflag:s3] =	ssyncadd.s32 $0xFFFFFE00  }
0xb: {  	[tilespmem:s7], [sflag:$0x1] =	stream.indirect.gather [hbm4b:s5+s6], $0x40, s2, s6, $0xb8;
	[tilespmem:$0x4200] =	vst v63  }
0xc: {  	_ =	swait.ge [sflag:s8], $0x2000  }
0xd: {  	s16 =	sadd.s32 $0x22000, s19;
	[sflag:s8] =	ssyncset.done $0x0  }
0xe: {  	s20 =	sshll.u32 s9, $0x3;
	s9 =	simm.s32 $0x2200;
	[sflag:s8] =	ssyncadd.s32 $0xFFFFE000  }
0xf: {  	[tilespmem:s9], [sflag:$0x2] =	stream.indirect.gather [hbm4b:s5+s6], $0x40, s6, s6, $0xb8;
	[tilespmem:$0x4200] =	vst v63  }
0x10: {  	s10 =	sadd.s32 s16, s20  }
0x11: {  	[hbm4b:s10+s2] =	stream.linear.scatter [tilespmem:s7], [sflag:$0x3], $0x2000, $0x38;
	[tilespmem:$0x4200] =	vst v63  }
0x12: {  	_ =	swait.ge [sflag:s3], $0x2000  }
0x13: {  	[sflag:s3] =	ssyncset.done $0x0  }
0x14: {  	s11 =	simm.s32 $0x2;
	[sflag:s3] =	ssyncadd.s32 $0xFFFFE000  }
0x15: {  	_ =	swait.ge [sflag:s11], $0x2000  }
0x16: {  	[sflag:s11] =	ssyncset.done $0x0  }
0x17: {  	s12 =	simm.s32 $0x100;
	s21 =	sor.u32 $0x400, s20;
	[sflag:s11] =	ssyncadd.s32 $0xFFFFE000  }
0x18: {  	[tilespmem:s7], [sflag:$0x1] =	stream.indirect.gather [hbm4b:s5+s6], $0x40, s12, s6, $0xb8;
	[tilespmem:$0x4200] =	vst v63  }
0x19: {  	s13 =	sadd.s32 s16, s21  }
0x1a: {  	[hbm4b:s13+s2] =	stream.linear.scatter [tilespmem:s9], [sflag:$0x3], $0x2000, $0x38;
	[tilespmem:$0x4200] =	vst v63  }
0x1b: {  	_ =	swait.ge [sflag:s3], $0x2000  }
0x1c: {  	[sflag:s3] =	ssyncset.done $0x0  }
0x1d: {  	[sflag:s3] =	ssyncadd.s32 $0xFFFFE000  }
0x1e: {  	_ =	swait.ge [sflag:s8], $0x2000  }
0x1f: {  	[sflag:s8] =	ssyncset.done $0x0  }
0x20: {  	s14 =	simm.s32 $0x180;
	s23 =	sor.u32 $0x800, s20;
	[sflag:s8] =	ssyncadd.s32 $0xFFFFE000  }
0x21: {  	[tilespmem:s9], [sflag:$0x2] =	stream.indirect.gather [hbm4b:s5+s6], $0x40, s14, s6, $0xb8;
	[tilespmem:$0x4200] =	vst v63  }
0x22: {  	s15 =	sadd.s32 s16, s23  }
0x23: {  	[hbm4b:s15+s2] =	stream.linear.scatter [tilespmem:s7], [sflag:$0x3], $0x2000, $0x38;
	[tilespmem:$0x4200] =	vst v63  }
0x24: {  	_ =	swait.ge [sflag:s3], $0x2000  }
0x25: {  	[sflag:s3] =	ssyncset.done $0x0  }
0x26: {  	[sflag:s3] =	ssyncadd.s32 $0xFFFFE000  }
0x27: {  	_ =	swait.ge [sflag:s11], $0x2000  }
0x28: {  	s24 =	sor.u32 $0xC00, s20;
	[sflag:s11] =	ssyncset.done $0x0  }
0x29: {  	s16 =	sadd.s32 s16, s24;
	[sflag:s11] =	ssyncadd.s32 $0xFFFFE000  }
0x2a: {  	[hbm4b:s16+s2] =	stream.linear.scatter [tilespmem:s9], [sflag:$0x3], $0x2000, $0x38;
	[tilespmem:$0x4200] =	vst v63  }
0x2b: {  	_ =	swait.ge [sflag:s3], $0x2000  }
0x2c: {  	[sflag:s3] =	ssyncset.done $0x0  }
0x2d: {  	s17 =	sadd.s32 s17, s18;
	[sflag:s3] =	ssyncadd.s32 $0xFFFFE000  }
0x2e: {  	[tilespmem:s2], [sflag:$0x3] =	stream.linear.gather [hbm4b:s17+s2], $0x200, $0x38;
	[tilespmem:$0x4200] =	vst v63  }
0x2f: {  	_ =	swait.ge [sflag:s3], $0x200  }
0x30: {  	[sflag:s3] =	ssyncset.done $0x0  }
0x31: {  	s18 =	sadd.s32 $0xF44400, s19;
	[sflag:s3] =	ssyncadd.s32 $0xFFFFFE00  }
0x32: {  	[tilespmem:s7], [sflag:$0x1] =	stream.indirect.gather [hbm4b:s18+s6], $0x40, s2, s6, $0xb8;
	[tilespmem:$0x4200] =	vst v63  }
0x33: {  	_ =	swait.ge [sflag:s8], $0x2000  }
0x34: {  	[sflag:s8] =	ssyncset.done $0x0  }
0x35: {  	s25 =	sadd.s32 $0x2000, s19;
	[sflag:s8] =	ssyncadd.s32 $0xFFFFE000  }
0x36: {  	[tilespmem:s9], [sflag:$0x2] =	stream.indirect.gather [hbm4b:s18+s6], $0x40, s6, s6, $0xb8;
	[tilespmem:$0x4200] =	vst v63  }
0x37: {  	s19 =	sadd.s32 s25, s20  }
0x38: {  	[hbm4b:s19+s2] =	stream.linear.scatter [tilespmem:s7], [sflag:$0x3], $0x2000, $0x38;
	[tilespmem:$0x4200] =	vst v63  }
0x39: {  	_ =	swait.ge [sflag:s3], $0x2000  }
0x3a: {  	[sflag:s3] =	ssyncset.done $0x0  }
0x3b: {  	[sflag:s3] =	ssyncadd.s32 $0xFFFFE000  }
0x3c: {  	_ =	swait.ge [sflag:s11], $0x2000  }
0x3d: {  	[sflag:s11] =	ssyncset.done $0x0  }
0x3e: {  	[sflag:s11] =	ssyncadd.s32 $0xFFFFE000  }
0x3f: {  	[tilespmem:s7], [sflag:$0x1] =	stream.indirect.gather [hbm4b:s18+s6], $0x40, s12, s6, $0xb8;
	[tilespmem:$0x4200] =	vst v63  }
0x40: {  	s20 =	sadd.s32 s25, s21  }
0x41: {  	[hbm4b:s20+s2] =	stream.linear.scatter [tilespmem:s9], [sflag:$0x3], $0x2000, $0x38;
	[tilespmem:$0x4200] =	vst v63  }
0x42: {  	_ =	swait.ge [sflag:s3], $0x2000  }
0x43: {  	[sflag:s3] =	ssyncset.done $0x0  }
0x44: {  	[sflag:s3] =	ssyncadd.s32 $0xFFFFE000  }
0x45: {  	_ =	swait.ge [sflag:s8], $0x2000  }
0x46: {  	[sflag:s8] =	ssyncset.done $0x0  }
0x47: {  	[sflag:s8] =	ssyncadd.s32 $0xFFFFE000  }
0x48: {  	[tilespmem:s9], [sflag:$0x2] =	stream.indirect.gather [hbm4b:s18+s6], $0x40, s14, s6, $0xb8;
	[tilespmem:$0x4200] =	vst v63  }
0x49: {  	s22 =	ssub.s32 $0x2, s22;
	s21 =	sadd.s32 s25, s23  }
0x4a: {  	[hbm4b:s21+s2] =	stream.linear.scatter [tilespmem:s7], [sflag:$0x3], $0x2000, $0x38;
	[tilespmem:$0x4200] =	vst v63  }
0x4b: {  	s31 =	sshrl.u32 s22, $0x1;
	_ =	swait.ge [sflag:s3], $0x2000  }
0x4c: {  	s23 =	ssub.s32 s22, s31;
	[sflag:s3] =	ssyncset.done $0x0  }
0x4d: {  	s23 =	smax.u32 s23, $0x1;
	[sflag:s3] =	ssyncadd.s32 $0xFFFFE000  }
0x4e: {  	p0 =	sne.s32 s23, $0x1;
	_ =	swait.ge [sflag:s11], $0x2000  }
.Ltmp0:
0x4f: {  	[sflag:s11] =	ssyncset.done $0x0;
	(pc) =	sbr.rel @!p0 .LBB2_2-.Ltmp0, $4  }
0x50: {  	s22 =	sadd.s32 s25, s24;
	[sflag:s11] =	ssyncadd.s32 $0xFFFFE000  }
0x51: {  	[hbm4b:s22+s2] =	stream.linear.scatter [tilespmem:s9], [sflag:$0x3], $0x2000, $0x38;
	[tilespmem:$0x4200] =	vst v63  }
0x52: {  	_ =	swait.ge [sflag:s3], $0x2000  }
0x53: {  	s23 =	sadd.s32 $0xFFFFFFFF, s23;
	[sflag:s3] =	ssyncset.done $0x0  }
.LBB2_1:
0x54: {  	p0 =	sne.s32 s23, $0x1;
	s23 =	sadd.s32 $0xFFFFFFFF, s23;
	[sflag:s3] =	ssyncadd.s32 $0xFFFFE000  }
0x55: {  	[tilespmem:s2], [sflag:$0x3] =	stream.linear.gather [hbm4b:s4+s2], $0x200, $0x38;
	[tilespmem:$0x4200] =	vst v63  }
0x56: {  	_ =	swait.ge [sflag:s3], $0x200  }
0x57: {  	[sflag:s3] =	ssyncset.done $0x0  }
0x58: {  	[sflag:s3] =	ssyncadd.s32 $0xFFFFFE00  }
0x59: {  	[tilespmem:s7], [sflag:$0x1] =	stream.indirect.gather [hbm4b:s5+s6], $0x40, s2, s6, $0xb8;
	[tilespmem:$0x4200] =	vst v63  }
0x5a: {  	_ =	swait.ge [sflag:s8], $0x2000  }
0x5b: {  	[sflag:s8] =	ssyncset.done $0x0  }
0x5c: {  	[sflag:s8] =	ssyncadd.s32 $0xFFFFE000  }
0x5d: {  	[tilespmem:s9], [sflag:$0x2] =	stream.indirect.gather [hbm4b:s5+s6], $0x40, s6, s6, $0xb8;
	[tilespmem:$0x4200] =	vst v63  }
0x5e: {  	_ = 	snop  }
0x5f: {  	[hbm4b:s10+s2] =	stream.linear.scatter [tilespmem:s7], [sflag:$0x3], $0x2000, $0x38;
	[tilespmem:$0x4200] =	vst v63  }
0x60: {  	_ =	swait.ge [sflag:s3], $0x2000  }
0x61: {  	[sflag:s3] =	ssyncset.done $0x0  }
0x62: {  	[sflag:s3] =	ssyncadd.s32 $0xFFFFE000  }
0x63: {  	_ =	swait.ge [sflag:s11], $0x2000  }
0x64: {  	[sflag:s11] =	ssyncset.done $0x0  }
0x65: {  	[sflag:s11] =	ssyncadd.s32 $0xFFFFE000  }
0x66: {  	[tilespmem:s7], [sflag:$0x1] =	stream.indirect.gather [hbm4b:s5+s6], $0x40, s12, s6, $0xb8;
	[tilespmem:$0x4200] =	vst v63  }
0x67: {  	_ = 	snop  }
0x68: {  	[hbm4b:s13+s2] =	stream.linear.scatter [tilespmem:s9], [sflag:$0x3], $0x2000, $0x38;
	[tilespmem:$0x4200] =	vst v63  }
0x69: {  	_ =	swait.ge [sflag:s3], $0x2000  }
0x6a: {  	[sflag:s3] =	ssyncset.done $0x0  }
0x6b: {  	[sflag:s3] =	ssyncadd.s32 $0xFFFFE000  }
0x6c: {  	_ =	swait.ge [sflag:s8], $0x2000  }
0x6d: {  	[sflag:s8] =	ssyncset.done $0x0  }
0x6e: {  	[sflag:s8] =	ssyncadd.s32 $0xFFFFE000  }
0x6f: {  	[tilespmem:s9], [sflag:$0x2] =	stream.indirect.gather [hbm4b:s5+s6], $0x40, s14, s6, $0xb8;
	[tilespmem:$0x4200] =	vst v63  }
0x70: {  	_ = 	snop  }
0x71: {  	[hbm4b:s15+s2] =	stream.linear.scatter [tilespmem:s7], [sflag:$0x3], $0x2000, $0x38;
	[tilespmem:$0x4200] =	vst v63  }
0x72: {  	_ =	swait.ge [sflag:s3], $0x2000  }
0x73: {  	[sflag:s3] =	ssyncset.done $0x0  }
0x74: {  	[sflag:s3] =	ssyncadd.s32 $0xFFFFE000  }
0x75: {  	_ =	swait.ge [sflag:s11], $0x2000  }
0x76: {  	[sflag:s11] =	ssyncset.done $0x0  }
0x77: {  	[sflag:s11] =	ssyncadd.s32 $0xFFFFE000  }
0x78: {  	[hbm4b:s16+s2] =	stream.linear.scatter [tilespmem:s9], [sflag:$0x3], $0x2000, $0x38;
	[tilespmem:$0x4200] =	vst v63  }
0x79: {  	_ =	swait.ge [sflag:s3], $0x2000  }
0x7a: {  	[sflag:s3] =	ssyncset.done $0x0  }
0x7b: {  	[sflag:s3] =	ssyncadd.s32 $0xFFFFE000  }
0x7c: {  	[tilespmem:s2], [sflag:$0x3] =	stream.linear.gather [hbm4b:s17+s2], $0x200, $0x38;
	[tilespmem:$0x4200] =	vst v63  }
0x7d: {  	_ =	swait.ge [sflag:s3], $0x200  }
0x7e: {  	[sflag:s3] =	ssyncset.done $0x0  }
0x7f: {  	[sflag:s3] =	ssyncadd.s32 $0xFFFFFE00  }
0x80: {  	[tilespmem:s7], [sflag:$0x1] =	stream.indirect.gather [hbm4b:s18+s6], $0x40, s2, s6, $0xb8;
	[tilespmem:$0x4200] =	vst v63  }
0x81: {  	_ =	swait.ge [sflag:s8], $0x2000  }
0x82: {  	[sflag:s8] =	ssyncset.done $0x0  }
0x83: {  	[sflag:s8] =	ssyncadd.s32 $0xFFFFE000  }
0x84: {  	[tilespmem:s9], [sflag:$0x2] =	stream.indirect.gather [hbm4b:s18+s6], $0x40, s6, s6, $0xb8;
	[tilespmem:$0x4200] =	vst v63  }
0x85: {  	_ = 	snop  }
0x86: {  	[hbm4b:s19+s2] =	stream.linear.scatter [tilespmem:s7], [sflag:$0x3], $0x2000, $0x38;
	[tilespmem:$0x4200] =	vst v63  }
0x87: {  	_ =	swait.ge [sflag:s3], $0x2000  }
0x88: {  	[sflag:s3] =	ssyncset.done $0x0  }
0x89: {  	[sflag:s3] =	ssyncadd.s32 $0xFFFFE000  }
0x8a: {  	_ =	swait.ge [sflag:s11], $0x2000  }
0x8b: {  	[sflag:s11] =	ssyncset.done $0x0  }
0x8c: {  	[sflag:s11] =	ssyncadd.s32 $0xFFFFE000  }
0x8d: {  	[tilespmem:s7], [sflag:$0x1] =	stream.indirect.gather [hbm4b:s18+s6], $0x40, s12, s6, $0xb8;
	[tilespmem:$0x4200] =	vst v63  }
0x8e: {  	_ = 	snop  }
0x8f: {  	[hbm4b:s20+s2] =	stream.linear.scatter [tilespmem:s9], [sflag:$0x3], $0x2000, $0x38;
	[tilespmem:$0x4200] =	vst v63  }
0x90: {  	_ =	swait.ge [sflag:s3], $0x2000  }
0x91: {  	[sflag:s3] =	ssyncset.done $0x0  }
0x92: {  	[sflag:s3] =	ssyncadd.s32 $0xFFFFE000  }
0x93: {  	_ =	swait.ge [sflag:s8], $0x2000  }
0x94: {  	[sflag:s8] =	ssyncset.done $0x0  }
0x95: {  	[sflag:s8] =	ssyncadd.s32 $0xFFFFE000  }
0x96: {  	[tilespmem:s9], [sflag:$0x2] =	stream.indirect.gather [hbm4b:s18+s6], $0x40, s14, s6, $0xb8;
	[tilespmem:$0x4200] =	vst v63  }
0x97: {  	_ = 	snop  }
0x98: {  	[hbm4b:s21+s2] =	stream.linear.scatter [tilespmem:s7], [sflag:$0x3], $0x2000, $0x38;
	[tilespmem:$0x4200] =	vst v63  }
0x99: {  	_ =	swait.ge [sflag:s3], $0x2000  }
0x9a: {  	[sflag:s3] =	ssyncset.done $0x0  }
0x9b: {  	[sflag:s3] =	ssyncadd.s32 $0xFFFFE000  }
0x9c: {  	_ =	swait.ge [sflag:s11], $0x2000  }
.Ltmp1:
0x9d: {  	[sflag:s11] =	ssyncset.done $0x0;
	(pc) =	sbr.rel @p0 .LBB2_1-.Ltmp1, $4  }
0x9e: {  	[sflag:s11] =	ssyncadd.s32 $0xFFFFE000  }
0x9f: {  	[hbm4b:s22+s2] =	stream.linear.scatter [tilespmem:s9], [sflag:$0x3], $0x2000, $0x38;
	[tilespmem:$0x4200] =	vst v63  }
0xa0: {  	_ =	swait.ge [sflag:s3], $0x2000  }
0xa1: {  	[sflag:s3] =	ssyncset.done $0x0  }
.LBB2_2:
0xa2: {  	[sflag:s3] =	ssyncadd.s32 $0xFFFFE000  }
0xa3: {  	_ =	sfence.sel $0x180000  }
0xa4: {  	[bflag:$0x0] =	sbarrier.arrive $0xFFFF  }
0xa5: {  	p0 =	sne.s32 s0, $0x0;
	_ =	strace $0x90000047  }
0xa6: {  	s0 =	sadd.s32 @!p0 $0x100000, s1;
	[bflag:$0x2] =	sbarrier.arrive $0xFFFF  }
0xa7: {  	[sflag:s0] =	ssyncadd.tile.s32 @!p0 $0x1;
	_ =	shalt  }
.Lfunc_end2:
_tile_overlayer_lowered:
.L_overlay_start_2:
0xa8: {  	(tag) =	ssettag $0x2  }
0xa9: {  	s0 =	rddreg [dreg:$0x0];
	s2 =	stileid.u32  }
0xaa: {  	s1 =	rddreg [dreg:$0x1];
	p0 =	sne.s32 s2, $0x0  }
0xab: {  	s3 =	rddreg [dreg:$0x2];
	[bflag:$0x3] =	sbarrier.arrive $0xFFFF;
	s2 =	simm.s32 @!p0 $0x1C03  }
0xac: {  	[timem:s3], [sflag:s2] =	dma.local @!p0 [hbm:s0], s1  }
0xad: {  	s0 =	simm.s32 @!p0 $0x3  }
0xae: {  	_ =	swait.ge @!p0 [sflag:s0], s1  }
0xaf: {  	s1 =	ssub.s32 @!p0 $0x0, s1;
	[sflag:s0] =	ssyncset.done @!p0 $0x0  }
0xb0: {  	[sflag:s0] =	ssyncadd.s32 @!p0 s1  }
0xb1: {  	[bflag:$0x3] =	sbarrier.arrive $0xFFFF  }
0xb2: {  	_ =	shalt  }

</sc_bundles>
